<compile_context>
chip_gen: v7x
topology: tpu7x:2x2x1
jax: 0.10.2.dev20260603
libtpu: 0.0.44.dev20260713+nightly
codegen_flags: <defaults>
</compile_context>

<pallas_src>
import functools

import jax
import jax.numpy as jnp
import numpy as np
from jax import lax
from jax.experimental import pallas as pl
from jax.experimental.pallas import tpu as pltpu
from jax.experimental.pallas import tpu_sc as plsc

_N = 2000000
_N_PAIRS = 4000000
_NC = 2
_NS = 16
_NW = _NC * _NS
_L = 16
_W = 32768
_NWIN = 64
_NPAD = _NWIN * _W
_C = 2048
_NCHW = 34
_CAP = _NCHW * _C
_P = _NWIN * _CAP
_FAST_CORE = 0
_KF = 21

_LOG1P_COEFFS = (
    1.47702935e-08, 9.99998308e-01, -4.99951996e-01, 3.32742004e-01,
    -2.46055308e-01, 1.84005313e-01, -1.24351043e-01, 6.58025218e-02,
    -2.27476937e-02, 3.70507024e-03,
)


def _rotl32(x, d):
    return ((x << np.uint32(d)) | (x >> np.uint32(32 - d))).astype(np.uint32)


def _threefry2x32(ka, kb, x0, x1):
    ks0 = np.uint32(ka)
    ks1 = np.uint32(kb)
    ks2 = np.uint32(ks0 ^ ks1 ^ np.uint32(0x1BD11BDA))
    x0 = (x0 + ks0).astype(np.uint32)
    x1 = (x1 + ks1).astype(np.uint32)
    rot = ((13, 15, 26, 6), (17, 29, 16, 24))
    ks = (ks0, ks1, ks2)
    for i in range(5):
        for r in rot[i % 2]:
            x0 = (x0 + x1).astype(np.uint32)
            x1 = (_rotl32(x1, r) ^ x0).astype(np.uint32)
        x0 = (x0 + ks[(i + 1) % 3]).astype(np.uint32)
        x1 = (x1 + ks[(i + 2) % 3] + np.uint32(i + 1)).astype(np.uint32)
    return x0, x1


def _tf_bits32(key, n):
    i = np.arange(n, dtype=np.uint64)
    c1 = (i >> np.uint64(32)).astype(np.uint32)
    c2 = (i & np.uint64(0xFFFFFFFF)).astype(np.uint32)
    o0, o1 = _threefry2x32(key[0], key[1], c1, c2)
    return o0 ^ o1


def _tf_split2(key):
    o0, o1 = _threefry2x32(key[0], key[1],
                           np.zeros(2, np.uint32), np.arange(2, dtype=np.uint32))
    return (o0[0], o1[0]), (o0[1], o1[1])


def _tf_randint(key, n, span):
    k1, k2 = _tf_split2(key)
    hi = _tf_bits32(k1, n)
    lo = _tf_bits32(k2, n)
    mult = ((65536 % span) ** 2 % (1 << 32)) % span
    off = (((hi % np.uint32(span)).astype(np.uint64) * mult
            + (lo % np.uint32(span))) % (1 << 32)) % span
    return off.astype(np.int32)


def _pair_index_constants():
    ki, kj = _tf_split2((np.uint32(0), np.uint32(1)))
    idx_i = _tf_randint(ki, _N_PAIRS, _N)
    idx_j = _tf_randint(kj, _N_PAIRS, _N)
    idx_j = np.where(idx_i == idx_j, (idx_j + 1) % _N, idx_j).astype(np.int32)
    win = idx_i >> 15
    order = np.lexsort((idx_j, win))
    idx_i = idx_i[order]
    idx_j = idx_j[order]
    win = win[order]
    starts = np.searchsorted(win, np.arange(_NWIN + 1))
    ii_loc = np.zeros(_P, np.int32)
    jj = np.zeros(_P, np.int32)
    for v in range(_NWIN):
        lo, hi = int(starts[v]), int(starts[v + 1])
        n = hi - lo
        assert n <= _CAP, (v, n)
        dst = v * _CAP
        ii_loc[dst:dst + n] = idx_i[lo:hi] - v * _W
        jj[dst:dst + n] = idx_j[lo:hi]
        jj[dst + n:dst + _CAP] = v * _W
    comb = np.stack([ii_loc.reshape(-1, _C), jj.reshape(-1, _C)],
                    axis=1).reshape(-1)
    return np.ascontiguousarray(comb, np.int32)


_IDX_NP = _pair_index_constants()


def _sc_body(s_hbm, p_hbm, ij_hbm, out_hbm,
             stab, ptab, bufa, bufb, acc_v, sema, semb):
    wid = lax.axis_index("s") * _NC + lax.axis_index("c")

    def fire(bufs, sem, pstart):
        ij_v, sj_v, pj_v = bufs
        pltpu.sync_copy(ij_hbm.at[pl.ds(pstart * 2, 2 * _C)], ij_v)
        jj_ref = ij_v.at[pl.ds(_C, _C)]
        pltpu.async_copy(s_hbm.at[jj_ref], sj_v, sem)
        pltpu.async_copy(p_hbm.at[jj_ref], pj_v, sem)

    def drain(bufs, sem):
        ij_v, sj_v, pj_v = bufs
        jj_ref = ij_v.at[pl.ds(_C, _C)]
        pltpu.make_async_copy(s_hbm.at[jj_ref], sj_v, sem).wait()
        pltpu.make_async_copy(p_hbm.at[jj_ref], pj_v, sem).wait()

    def compute(bufs, carry):
        ij_v, sj_v, pj_v = bufs

        def step(k, carry):
            a_wv, a_wbv = carry
            sl = pl.ds(pl.multiple_of(k * _L, _L), _L)
            il = ij_v[sl]
            si = plsc.load_gather(stab, [il])
            pi = plsc.load_gather(ptab, [il])
            sj = sj_v[sl]
            pj = pj_v[sl]
            sd = si - sj
            rqi = lax.shift_right_arithmetic(pi, 11)
            rqj = lax.shift_right_arithmetic(pj, 11)
            qsum = (pi & 2047) + (pj & 2047)
            q = qsum.astype(jnp.float32) * (1.0 / 2047.0)
            w = 1.0 / (1.0 + jnp.exp(q))
            wv = jnp.where(rqi != rqj, w, 0.0)
            tgt = jnp.where(rqi > rqj, sd, 0.0)
            y = jnp.exp(-jnp.abs(sd))
            l1p = jnp.full((_L,), _LOG1P_COEFFS[-1], jnp.float32)
            for c in _LOG1P_COEFFS[-2::-1]:
                l1p = l1p * y + c
            bce = jnp.maximum(sd, 0.0) - tgt + l1p
            return a_wv + wv, a_wbv + wv * bce

        return lax.fori_loop(0, _C // _L, step, carry)

    is_fast = lax.axis_index("c") == _FAST_CORE
    nch = jnp.where(is_fast, _KF, _NCHW - _KF)
    nch2 = (nch - 1) // 2
    coff = jnp.where(is_fast, 0, _KF)

    def phase(p, carry):
        win = p * _NS + lax.axis_index("s")
        tb = pl.multiple_of(win * _W, _W)
        pltpu.sync_copy(s_hbm.at[pl.ds(tb, _W)], stab)
        pltpu.sync_copy(p_hbm.at[pl.ds(tb, _W)], ptab)
        base0 = pl.multiple_of(win * _CAP + coff * _C, _C)
        fire(bufa, sema, base0)

        def body2(m, carry):
            fire(bufb, semb, base0 + (2 * m + 1) * _C)
            drain(bufa, sema)
            carry = compute(bufa, carry)
            fire(bufa, sema, base0 + (2 * m + 2) * _C)
            drain(bufb, semb)
            return compute(bufb, carry)

        carry = lax.fori_loop(0, nch2, body2, carry)
        drain(bufa, sema)
        return compute(bufa, carry)

    zero = jnp.zeros((_L,), jnp.float32)
    a_wv, a_wbv = lax.fori_loop(0, _NWIN // _NS, phase, (zero, zero))
    acc_v[0, :] = a_wv
    acc_v[1, :] = a_wbv
    pltpu.sync_copy(acc_v, out_hbm.at[wid])


def _buf_set():
    return (pltpu.VMEM((2 * _C,), jnp.int32),
            pltpu.VMEM((_C,), jnp.float32),
            pltpu.VMEM((_C,), jnp.int32))


@functools.lru_cache(maxsize=1)
def _sc_call():
    mesh = plsc.VectorSubcoreMesh(core_axis_name="c", subcore_axis_name="s")
    return pl.kernel(
        _sc_body,
        out_type=jax.ShapeDtypeStruct((_NW, 2, _L), jnp.float32),
        mesh=mesh,
        compiler_params=pltpu.CompilerParams(needs_layout_passes=False),
        scratch_types=[
            pltpu.VMEM((_W,), jnp.float32),
            pltpu.VMEM((_W,), jnp.int32),
            _buf_set(),
            _buf_set(),
            pltpu.VMEM((2, _L), jnp.float32),
            pltpu.SemaphoreType.DMA,
            pltpu.SemaphoreType.DMA,
        ],
    )


def kernel(scores, relevance, aleatoric_uncertainty):
    scores = scores.reshape(-1)
    relevance = relevance.reshape(-1)
    aleatoric_uncertainty = aleatoric_uncertainty.reshape(-1)
    rq = (relevance * jnp.float32(1048576.0)).astype(jnp.int32)
    uq = (aleatoric_uncertainty * aleatoric_uncertainty
          * jnp.float32(2047.0) + jnp.float32(0.5)).astype(jnp.int32)
    packed = jnp.left_shift(rq, 11) | uq
    pad = jnp.zeros((_NPAD - _N,), jnp.float32)
    s = jnp.concatenate([scores, pad])
    p = jnp.concatenate([packed, jnp.zeros((_NPAD - _N,), jnp.int32)])
    ij = jnp.asarray(_IDX_NP)
    out = _sc_call()(s, p, ij)
    return jnp.sum(out[:, 1, :]) / jnp.sum(out[:, 0, :])

# --- scband reference (transcript-rebuilt; emitter-appended) ---
"""Pipeline reference for scband-sampled-rank-stability-rank-net-28389733827356 (READ-ONLY COPY).

The authoritative reference and input builder live on the scoring server;
editing this copy changes nothing except your own understanding.
"""

import jax, jax.numpy as jnp
import numpy as np

N = 2000000
N_PAIRS = 4000000
SIGMA = 1.0
K = 1.0


def setup_inputs(seed: int = 0) -> dict:
    key = jax.random.key(seed)
    k1, k2, k3 = jax.random.split(key, 3)
    scores = jax.random.normal(k1, (N,), dtype=jnp.float32)
    relevance = jax.random.uniform(k2, (N,), dtype=jnp.float32)
    aleatoric_uncertainty = jax.random.uniform(k3, (N,), dtype=jnp.float32)
    return {
        "scores": scores,
        "relevance": relevance,
        "aleatoric_uncertainty": aleatoric_uncertainty,
    }


def _pair_indices(n, n_pairs):
    # Deterministic stand-in for torch.randint pair sampling.
    kk = jax.random.key(1)
    ki, kj = jax.random.split(kk)
    idx_i = jax.random.randint(ki, (n_pairs,), 0, n)
    idx_j = jax.random.randint(kj, (n_pairs,), 0, n)
    # Fix self-pairs: idx_j[same] = (idx_j[same] + 1) % n
    idx_j = jnp.where(idx_i == idx_j, (idx_j + 1) % n, idx_j)
    return idx_i, idx_j


def reference(scores, relevance, aleatoric_uncertainty):
    scores = scores.reshape(-1)
    relevance = relevance.reshape(-1)
    aleatoric_uncertainty = aleatoric_uncertainty.reshape(-1)
    n = scores.shape[0]
    idx_i, idx_j = _pair_indices(n, N_PAIRS)

    score_diff = jnp.take(scores, idx_i) - jnp.take(scores, idx_j)
    relevance_diff = jnp.take(relevance, idx_i) - jnp.take(relevance, idx_j)
    sigma_sq_i = jnp.take(aleatoric_uncertainty, idx_i) ** 2
    sigma_sq_j = jnp.take(aleatoric_uncertainty, idx_j) ** 2

    weights = jax.nn.sigmoid(-K * (sigma_sq_i + sigma_sq_j))

    valid = (relevance_diff != 0).astype(jnp.float32)
    n_valid = jnp.maximum(jnp.sum(valid), 1.0)
    targets = (relevance_diff > 0).astype(jnp.float32)

    # valid_weights = valid_weights / valid_weights.mean() (mean over valid)
    w_mean = jnp.sum(weights * valid) / n_valid
    w_norm = weights / w_mean

    # binary_cross_entropy_with_logits, numerically stable
    x = SIGMA * score_diff
    bce = jnp.maximum(x, 0.0) - x * targets + jnp.log1p(jnp.exp(-jnp.abs(x)))

    # weighted mean over valid pairs
    loss = jnp.sum(w_norm * bce * valid) / n_valid
    return loss

if __name__ == "__main__":
    import jax
    _d = setup_inputs()
    print(jax.jit(kernel)(*tuple(_d.values())))

</pallas_src>

<mosaic_0001>
#map = affine_map<(d0, d1) -> (0)>
#map1 = affine_map<(d0, d1) -> (0, 0, 0)>
module attributes {stable_mosaic.version = 14 : i64} {
  func.func @_sc_body(%arg0: i32, %arg1: i32, %arg2: memref<2097152xf32, #tpu.memory_space<hbm>>, %arg3: memref<2097152xi32, #tpu.memory_space<hbm>>, %arg4: memref<8912896xi32, #tpu.memory_space<hbm>>, %arg5: memref<32x2x16xf32, #tpu.memory_space<hbm>>, %arg6: memref<32768xf32, #tpu.memory_space<vmem>>, %arg7: memref<32768xi32, #tpu.memory_space<vmem>>, %arg8: memref<4096xi32, #tpu.memory_space<vmem>>, %arg9: memref<2048xf32, #tpu.memory_space<vmem>>, %arg10: memref<2048xi32, #tpu.memory_space<vmem>>, %arg11: memref<4096xi32, #tpu.memory_space<vmem>>, %arg12: memref<2048xf32, #tpu.memory_space<vmem>>, %arg13: memref<2048xi32, #tpu.memory_space<vmem>>, %arg14: memref<2x16xf32, #tpu.memory_space<vmem>>, %arg15: memref<!tpu.dma_semaphore, #tpu.memory_space<semaphore_mem>>, %arg16: memref<!tpu.dma_semaphore, #tpu.memory_space<semaphore_mem>>) attributes {dimension_semantics = [#tpu.dimension_semantics<core_parallel>, #tpu.dimension_semantics<subcore_parallel>], iteration_bounds = array<i64: 2, 16>, scalar_prefetch = 0 : i64, scratch_operands = 11 : i64, tpu.core_type = #tpu.core_type<sc_vector_subcore>, window_params = [{transform_indices = #map}, {transform_indices = #map}, {transform_indices = #map}, {transform_indices = #map1}]} {
    %mul3A = arith.constant 2 : i32
    %mul3A_0 = arith.muli %arg1, %mul3A : i32
    %add3A = arith.addi %mul3A_0, %arg0 : i32
    %eq3A = arith.constant 0 : i32
    %eq3A_1 = arith.cmpi eq, %arg0, %eq3A : i32
    %jit3A = arith.constant 21 : i32
    %jit3A_2 = arith.constant 13 : i32
    %select_n3A = arith.select %eq3A_1, %jit3A, %jit3A_2 : i32
    %sub3A = arith.constant 1 : i32
    %sub3A_3 = arith.subi %select_n3A, %sub3A : i32
    %jit3A_4 = arith.constant 2 : i32
    %div3A = arith.divsi %sub3A_3, %jit3A_4 : i32
    %sign3A = arith.constant 0 : i32
    %sign3A_5 = arith.cmpi sgt, %sub3A_3, %sign3A : i32
    %sign3A_6 = arith.extui %sign3A_5 : i1 to i32
    %sign3A_7 = arith.constant 0 : i32
    %sign3A_8 = arith.cmpi slt, %sub3A_3, %sign3A_7 : i32
    %sign3A_9 = arith.extui %sign3A_8 : i1 to i32
    %sign3A_10 = arith.subi %sign3A_6, %sign3A_9 : i32
    %sign3A_11 = arith.constant 0 : i32
    %sign3A_12 = arith.cmpi sgt, %jit3A_4, %sign3A_11 : i32
    %sign3A_13 = arith.extui %sign3A_12 : i1 to i32
    %sign3A_14 = arith.constant 0 : i32
    %sign3A_15 = arith.cmpi slt, %jit3A_4, %sign3A_14 : i32
    %sign3A_16 = arith.extui %sign3A_15 : i1 to i32
    %sign3A_17 = arith.subi %sign3A_13, %sign3A_16 : i32
    %ne3A = arith.cmpi ne, %sign3A_10, %sign3A_17 : i32
    %rem3A = arith.remsi %sub3A_3, %jit3A_4 : i32
    %ne3A_18 = arith.constant 0 : i32
    %ne3A_19 = arith.cmpi ne, %rem3A, %ne3A_18 : i32
    %and3A = arith.andi %ne3A, %ne3A_19 : i1
    %sub3A_20 = arith.constant 1 : i32
    %sub3A_21 = arith.subi %div3A, %sub3A_20 : i32
    %select_n3A_22 = arith.select %and3A, %sub3A_21, %div3A : i32
    %jit3A_23 = arith.constant 0 : i32
    %jit3A_24 = arith.constant 21 : i32
    %select_n3A_25 = arith.select %eq3A_1, %jit3A_23, %jit3A_24 : i32
    %broadcast_in_dim3A = arith.constant 0.000000e+00 : f32
    %broadcast_in_dim3A_26 = vector.broadcast %broadcast_in_dim3A : f32 to vector<16xf32>
    %scan3A = arith.constant 0 : i32
    %scan3A_27 = arith.constant 4 : i32
    %scan3A_28 = arith.addi %scan3A, %scan3A_27 : i32
    %scan3A_29 = arith.constant 1 : i32
    %scan3A_30:2 = scf.for %scan3A_39 = %scan3A to %scan3A_28 step %scan3A_29 iter_args(%scan3A_40 = %broadcast_in_dim3A_26, %scan3A_41 = %broadcast_in_dim3A_26) -> (vector<16xf32>, vector<16xf32>)  : i32 {
      %mul3A_42 = arith.constant 16 : i32
      %mul3A_43 = arith.muli %scan3A_39, %mul3A_42 : i32
      %add3A_44 = arith.addi %mul3A_43, %arg1 : i32
      %mul3A_45 = arith.constant 32768 : i32
      %mul3A_46 = arith.muli %add3A_44, %mul3A_45 : i32
      %multiple_of3A = tpu.assume_multiple %mul3A_46, 32768 : i32
      "tpu.region"() ({
        %run_scoped3A = tpu.sem_alloc : memref<!tpu.dma_semaphore, #tpu.memory_space<semaphore_mem>>
        %dma_start3A_85 = tpu.memref_slice %arg2[%multiple_of3A] : memref<2097152xf32, #tpu.memory_space<hbm>> -> memref<32768xf32, #tpu.memory_space<hbm>>
        %dma_start3A_86 = tpu.memref_slice %arg2[%multiple_of3A] : memref<2097152xf32, #tpu.memory_space<hbm>> -> memref<32768xf32, #tpu.memory_space<hbm>>
        tpu.enqueue_dma source(%dma_start3A_86 : memref<32768xf32, #tpu.memory_space<hbm>>) target(%arg6 : memref<32768xf32, #tpu.memory_space<vmem>>) target_semaphore(%run_scoped3A : memref<!tpu.dma_semaphore, #tpu.memory_space<semaphore_mem>>)
        %dma_wait3A_87 = tpu.memref_slice %arg2[%multiple_of3A] : memref<2097152xf32, #tpu.memory_space<hbm>> -> memref<32768xf32, #tpu.memory_space<hbm>>
        %dma_wait3A_88 = tpu.memref_slice %arg2[%multiple_of3A] : memref<2097152xf32, #tpu.memory_space<hbm>> -> memref<32768xf32, #tpu.memory_space<hbm>>
        tpu.wait_dma2 semaphore(%run_scoped3A : memref<!tpu.dma_semaphore, #tpu.memory_space<semaphore_mem>>) src(%dma_wait3A_88 : memref<32768xf32, #tpu.memory_space<hbm>>) dst(%arg6 : memref<32768xf32, #tpu.memory_space<vmem>>)
        tpu.yield
      }) : () -> ()
      "tpu.region"() ({
        %run_scoped3A = tpu.sem_alloc : memref<!tpu.dma_semaphore, #tpu.memory_space<semaphore_mem>>
        %dma_start3A_85 = tpu.memref_slice %arg3[%multiple_of3A] : memref<2097152xi32, #tpu.memory_space<hbm>> -> memref<32768xi32, #tpu.memory_space<hbm>>
        %dma_start3A_86 = tpu.memref_slice %arg3[%multiple_of3A] : memref<2097152xi32, #tpu.memory_space<hbm>> -> memref<32768xi32, #tpu.memory_space<hbm>>
        tpu.enqueue_dma source(%dma_start3A_86 : memref<32768xi32, #tpu.memory_space<hbm>>) target(%arg7 : memref<32768xi32, #tpu.memory_space<vmem>>) target_semaphore(%run_scoped3A : memref<!tpu.dma_semaphore, #tpu.memory_space<semaphore_mem>>)
        %dma_wait3A_87 = tpu.memref_slice %arg3[%multiple_of3A] : memref<2097152xi32, #tpu.memory_space<hbm>> -> memref<32768xi32, #tpu.memory_space<hbm>>
        %dma_wait3A_88 = tpu.memref_slice %arg3[%multiple_of3A] : memref<2097152xi32, #tpu.memory_space<hbm>> -> memref<32768xi32, #tpu.memory_space<hbm>>
        tpu.wait_dma2 semaphore(%run_scoped3A : memref<!tpu.dma_semaphore, #tpu.memory_space<semaphore_mem>>) src(%dma_wait3A_88 : memref<32768xi32, #tpu.memory_space<hbm>>) dst(%arg7 : memref<32768xi32, #tpu.memory_space<vmem>>)
        tpu.yield
      }) : () -> ()
      %mul3A_47 = arith.constant 69632 : i32
      %mul3A_48 = arith.muli %add3A_44, %mul3A_47 : i32
      %mul3A_49 = arith.constant 2048 : i32
      %mul3A_50 = arith.muli %select_n3A_25, %mul3A_49 : i32
      %add3A_51 = arith.addi %mul3A_48, %mul3A_50 : i32
      %multiple_of3A_52 = tpu.assume_multiple %add3A_51, 2048 : i32
      %mul3A_53 = arith.constant 2 : i32
      %mul3A_54 = arith.muli %multiple_of3A_52, %mul3A_53 : i32
      "tpu.region"() ({
        %run_scoped3A = tpu.sem_alloc : memref<!tpu.dma_semaphore, #tpu.memory_space<semaphore_mem>>
        %dma_start3A_85 = tpu.memref_slice %arg4[%mul3A_54] : memref<8912896xi32, #tpu.memory_space<hbm>> -> memref<4096xi32, #tpu.memory_space<hbm>>
        %dma_start3A_86 = tpu.memref_slice %arg4[%mul3A_54] : memref<8912896xi32, #tpu.memory_space<hbm>> -> memref<4096xi32, #tpu.memory_space<hbm>>
        tpu.enqueue_dma source(%dma_start3A_86 : memref<4096xi32, #tpu.memory_space<hbm>>) target(%arg8 : memref<4096xi32, #tpu.memory_space<vmem>>) target_semaphore(%run_scoped3A : memref<!tpu.dma_semaphore, #tpu.memory_space<semaphore_mem>>)
        %dma_wait3A_87 = tpu.memref_slice %arg4[%mul3A_54] : memref<8912896xi32, #tpu.memory_space<hbm>> -> memref<4096xi32, #tpu.memory_space<hbm>>
        %dma_wait3A_88 = tpu.memref_slice %arg4[%mul3A_54] : memref<8912896xi32, #tpu.memory_space<hbm>> -> memref<4096xi32, #tpu.memory_space<hbm>>
        tpu.wait_dma2 semaphore(%run_scoped3A : memref<!tpu.dma_semaphore, #tpu.memory_space<semaphore_mem>>) src(%dma_wait3A_88 : memref<4096xi32, #tpu.memory_space<hbm>>) dst(%arg8 : memref<4096xi32, #tpu.memory_space<vmem>>)
        tpu.yield
      }) : () -> ()
      %dma_start3A = arith.constant 2048 : i32
      %dma_start3A_55 = tpu.memref_slice %arg8[%dma_start3A] : memref<4096xi32, #tpu.memory_space<vmem>> -> memref<2048xi32, #tpu.memory_space<vmem>>
      %dma_start3A_56 = arith.constant 0 : i32
      %dma_start3A_57 = tpu.memref_slice %arg2[%dma_start3A_56] : memref<2097152xf32, #tpu.memory_space<hbm>> -> memref<2097152xf32, #tpu.memory_space<hbm>>
      tpu.enqueue_indirect_dma source(%dma_start3A_57 : memref<2097152xf32, #tpu.memory_space<hbm>>) target(%arg9 : memref<2048xf32, #tpu.memory_space<vmem>>) offsets(%dma_start3A_55 : memref<2048xi32, #tpu.memory_space<vmem>>) semaphore(%arg15 : memref<!tpu.dma_semaphore, #tpu.memory_space<semaphore_mem>>)
      %dma_start3A_58 = arith.constant 2048 : i32
      %dma_start3A_59 = tpu.memref_slice %arg8[%dma_start3A_58] : memref<4096xi32, #tpu.memory_space<vmem>> -> memref<2048xi32, #tpu.memory_space<vmem>>
      %dma_start3A_60 = arith.constant 0 : i32
      %dma_start3A_61 = tpu.memref_slice %arg3[%dma_start3A_60] : memref<2097152xi32, #tpu.memory_space<hbm>> -> memref<2097152xi32, #tpu.memory_space<hbm>>
      tpu.enqueue_indirect_dma source(%dma_start3A_61 : memref<2097152xi32, #tpu.memory_space<hbm>>) target(%arg10 : memref<2048xi32, #tpu.memory_space<vmem>>) offsets(%dma_start3A_59 : memref<2048xi32, #tpu.memory_space<vmem>>) semaphore(%arg15 : memref<!tpu.dma_semaphore, #tpu.memory_space<semaphore_mem>>)
      %while3A = arith.constant 0 : i32
      %while3A_62 = arith.subi %select_n3A_22, %while3A : i32
      %while3A_63 = arith.addi %while3A, %while3A_62 : i32
      %while3A_64 = arith.constant 1 : i32
      %while3A_65 = arith.divsi %while3A_62, %while3A_64 : i32
      %while3A_66 = arith.muli %while3A_65, %while3A_64 : i32
      %while3A_67 = arith.addi %while3A, %while3A_66 : i32
      %while3A_68 = arith.constant 1 : i32
      %while3A_69:2 = scf.for %while3A_85 = %while3A to %while3A_67 step %while3A_68 iter_args(%while3A_86 = %scan3A_40, %while3A_87 = %scan3A_41) -> (vector<16xf32>, vector<16xf32>)  : i32 {
        %mul3A_88 = arith.constant 2 : i32
        %mul3A_89 = arith.muli %mul3A_88, %while3A_85 : i32
        %add3A_90 = arith.constant 1 : i32
        %add3A_91 = arith.addi %mul3A_89, %add3A_90 : i32
        %mul3A_92 = arith.constant 2048 : i32
        %mul3A_93 = arith.muli %add3A_91, %mul3A_92 : i32
        %add3A_94 = arith.addi %multiple_of3A_52, %mul3A_93 : i32
        %mul3A_95 = arith.constant 2 : i32
        %mul3A_96 = arith.muli %add3A_94, %mul3A_95 : i32
        "tpu.region"() ({
          %run_scoped3A = tpu.sem_alloc : memref<!tpu.dma_semaphore, #tpu.memory_space<semaphore_mem>>
          %dma_start3A_150 = tpu.memref_slice %arg4[%mul3A_96] : memref<8912896xi32, #tpu.memory_space<hbm>> -> memref<4096xi32, #tpu.memory_space<hbm>>
          %dma_start3A_151 = tpu.memref_slice %arg4[%mul3A_96] : memref<8912896xi32, #tpu.memory_space<hbm>> -> memref<4096xi32, #tpu.memory_space<hbm>>
          tpu.enqueue_dma source(%dma_start3A_151 : memref<4096xi32, #tpu.memory_space<hbm>>) target(%arg11 : memref<4096xi32, #tpu.memory_space<vmem>>) target_semaphore(%run_scoped3A : memref<!tpu.dma_semaphore, #tpu.memory_space<semaphore_mem>>)
          %dma_wait3A_152 = tpu.memref_slice %arg4[%mul3A_96] : memref<8912896xi32, #tpu.memory_space<hbm>> -> memref<4096xi32, #tpu.memory_space<hbm>>
          %dma_wait3A_153 = tpu.memref_slice %arg4[%mul3A_96] : memref<8912896xi32, #tpu.memory_space<hbm>> -> memref<4096xi32, #tpu.memory_space<hbm>>
          tpu.wait_dma2 semaphore(%run_scoped3A : memref<!tpu.dma_semaphore, #tpu.memory_space<semaphore_mem>>) src(%dma_wait3A_153 : memref<4096xi32, #tpu.memory_space<hbm>>) dst(%arg11 : memref<4096xi32, #tpu.memory_space<vmem>>)
          tpu.yield
        }) : () -> ()
        %dma_start3A_97 = arith.constant 2048 : i32
        %dma_start3A_98 = tpu.memref_slice %arg11[%dma_start3A_97] : memref<4096xi32, #tpu.memory_space<vmem>> -> memref<2048xi32, #tpu.memory_space<vmem>>
        %dma_start3A_99 = arith.constant 0 : i32
        %dma_start3A_100 = tpu.memref_slice %arg2[%dma_start3A_99] : memref<2097152xf32, #tpu.memory_space<hbm>> -> memref<2097152xf32, #tpu.memory_space<hbm>>
        tpu.enqueue_indirect_dma source(%dma_start3A_100 : memref<2097152xf32, #tpu.memory_space<hbm>>) target(%arg12 : memref<2048xf32, #tpu.memory_space<vmem>>) offsets(%dma_start3A_98 : memref<2048xi32, #tpu.memory_space<vmem>>) semaphore(%arg16 : memref<!tpu.dma_semaphore, #tpu.memory_space<semaphore_mem>>)
        %dma_start3A_101 = arith.constant 2048 : i32
        %dma_start3A_102 = tpu.memref_slice %arg11[%dma_start3A_101] : memref<4096xi32, #tpu.memory_space<vmem>> -> memref<2048xi32, #tpu.memory_space<vmem>>
        %dma_start3A_103 = arith.constant 0 : i32
        %dma_start3A_104 = tpu.memref_slice %arg3[%dma_start3A_103] : memref<2097152xi32, #tpu.memory_space<hbm>> -> memref<2097152xi32, #tpu.memory_space<hbm>>
        tpu.enqueue_indirect_dma source(%dma_start3A_104 : memref<2097152xi32, #tpu.memory_space<hbm>>) target(%arg13 : memref<2048xi32, #tpu.memory_space<vmem>>) offsets(%dma_start3A_102 : memref<2048xi32, #tpu.memory_space<vmem>>) semaphore(%arg16 : memref<!tpu.dma_semaphore, #tpu.memory_space<semaphore_mem>>)
        %dma_wait3A_105 = arith.constant 2048 : i32
        %dma_wait3A_106 = tpu.memref_slice %arg8[%dma_wait3A_105] : memref<4096xi32, #tpu.memory_space<vmem>> -> memref<2048xi32, #tpu.memory_space<vmem>>
        %dma_wait3A_107 = arith.constant 0 : i32
        %dma_wait3A_108 = tpu.memref_slice %arg2[%dma_wait3A_107] : memref<2097152xf32, #tpu.memory_space<hbm>> -> memref<2097152xf32, #tpu.memory_space<hbm>>
        tpu.wait_indirect_dma semaphore(%arg15 : memref<!tpu.dma_semaphore, #tpu.memory_space<semaphore_mem>>) src(%dma_wait3A_108 : memref<2097152xf32, #tpu.memory_space<hbm>>) dst(%arg9 : memref<2048xf32, #tpu.memory_space<vmem>>)
        %dma_wait3A_109 = arith.constant 2048 : i32
        %dma_wait3A_110 = tpu.memref_slice %arg8[%dma_wait3A_109] : memref<4096xi32, #tpu.memory_space<vmem>> -> memref<2048xi32, #tpu.memory_space<vmem>>
        %dma_wait3A_111 = arith.constant 0 : i32
        %dma_wait3A_112 = tpu.memref_slice %arg3[%dma_wait3A_111] : memref<2097152xi32, #tpu.memory_space<hbm>> -> memref<2097152xi32, #tpu.memory_space<hbm>>
        tpu.wait_indirect_dma semaphore(%arg15 : memref<!tpu.dma_semaphore, #tpu.memory_space<semaphore_mem>>) src(%dma_wait3A_112 : memref<2097152xi32, #tpu.memory_space<hbm>>) dst(%arg10 : memref<2048xi32, #tpu.memory_space<vmem>>)
        %scan3A_113 = arith.constant 0 : i32
        %scan3A_114 = arith.constant 128 : i32
        %scan3A_115 = arith.addi %scan3A_113, %scan3A_114 : i32
        %scan3A_116 = arith.constant 1 : i32
        %scan3A_117:2 = scf.for %scan3A_150 = %scan3A_113 to %scan3A_115 step %scan3A_116 iter_args(%scan3A_151 = %while3A_86, %scan3A_152 = %while3A_87) -> (vector<16xf32>, vector<16xf32>)  : i32 {
          %mul3A_153 = arith.constant 16 : i32
          %mul3A_154 = arith.muli %scan3A_150, %mul3A_153 : i32
          %multiple_of3A_155 = tpu.assume_multiple %mul3A_154, 16 : i32
          %get3A = arith.index_cast %multiple_of3A_155 : i32 to index
          %get3A_156 = tpu.vector_load %arg8[%get3A] {strides = array<i32>} : memref<4096xi32, #tpu.memory_space<vmem>>, vector<16xi32>,
          %gather3A = tpu.vector_load_idx %arg6[%get3A_156] : memref<32768xf32, #tpu.memory_space<vmem>>[vector<16xi32>], vector<16xf32>,
          %gather3A_157 = tpu.vector_load_idx %arg7[%get3A_156] : memref<32768xi32, #tpu.memory_space<vmem>>[vector<16xi32>], vector<16xi32>,
          %get3A_158 = arith.index_cast %multiple_of3A_155 : i32 to index
          %get3A_159 = tpu.vector_load %arg9[%get3A_158] {strides = array<i32>} : memref<2048xf32, #tpu.memory_space<vmem>>, vector<16xf32>,
          %get3A_160 = arith.index_cast %multiple_of3A_155 : i32 to index
          %get3A_161 = tpu.vector_load %arg10[%get3A_160] {strides = array<i32>} : memref<2048xi32, #tpu.memory_space<vmem>>, vector<16xi32>,
          %sub3A_162 = arith.subf %gather3A, %get3A_159 : vector<16xf32>
          %shift_right_arithmetic3A = arith.constant 11 : i32
          %shift_right_arithmetic3A_163 = vector.broadcast %shift_right_arithmetic3A : i32 to vector<16xi32>
          %shift_right_arithmetic3A_164 = arith.shrsi %gather3A_157, %shift_right_arithmetic3A_163 : vector<16xi32>
          %shift_right_arithmetic3A_165 = arith.constant 11 : i32
          %shift_right_arithmetic3A_166 = vector.broadcast %shift_right_arithmetic3A_165 : i32 to vector<16xi32>
          %shift_right_arithmetic3A_167 = arith.shrsi %get3A_161, %shift_right_arithmetic3A_166 : vector<16xi32>
          %and3A_168 = arith.constant 2047 : i32
          %and3A_169 = vector.broadcast %and3A_168 : i32 to vector<16xi32>
          %and3A_170 = arith.andi %gather3A_157, %and3A_169 : vector<16xi32>
          %and3A_171 = arith.constant 2047 : i32
          %and3A_172 = vector.broadcast %and3A_171 : i32 to vector<16xi32>
          %and3A_173 = arith.andi %get3A_161, %and3A_172 : vector<16xi32>
          %add3A_174 = arith.addi %and3A_170, %and3A_173 : vector<16xi32>
          %convert_element_type3A = arith.sitofp %add3A_174 : vector<16xi32> to vector<16xf32>
          %mul3A_175 = arith.constant 4.88519785E-4 : f32
          %mul3A_176 = vector.broadcast %mul3A_175 : f32 to vector<16xf32>
          %mul3A_177 = arith.mulf %convert_element_type3A, %mul3A_176 : vector<16xf32>
          %exp3A = math.exp %mul3A_177 : vector<16xf32>
          %add3A_178 = arith.constant 1.000000e+00 : f32
          %add3A_179 = vector.broadcast %add3A_178 : f32 to vector<16xf32>
          %add3A_180 = arith.addf %add3A_179, %exp3A : vector<16xf32>
          %div3A_181 = arith.constant 1.000000e+00 : f32
          %div3A_182 = vector.broadcast %div3A_181 : f32 to vector<16xf32>
          %div3A_183 = arith.divf %div3A_182, %add3A_180 : vector<16xf32>
          %ne3A_184 = arith.cmpi ne, %shift_right_arithmetic3A_164, %shift_right_arithmetic3A_167 : vector<16xi32>
          %jit3A_185 = arith.constant 0.000000e+00 : f32
          %broadcast_in_dim3A_186 = vector.broadcast %jit3A_185 : f32 to vector<16xf32>
          %select_n3A_187 = arith.select %ne3A_184, %div3A_183, %broadcast_in_dim3A_186 : vector<16xi1>, vector<16xf32>
          %gt3A = arith.cmpi sgt, %shift_right_arithmetic3A_164, %shift_right_arithmetic3A_167 : vector<16xi32>
          %jit3A_188 = arith.constant 0.000000e+00 : f32
          %broadcast_in_dim3A_189 = vector.broadcast %jit3A_188 : f32 to vector<16xf32>
          %select_n3A_190 = arith.select %gt3A, %sub3A_162, %broadcast_in_dim3A_189 : vector<16xi1>, vector<16xf32>
          %abs3A = math.absf %sub3A_162 : vector<16xf32>
          %neg3A = arith.constant 0.000000e+00 : f32
          %neg3A_191 = vector.broadcast %neg3A : f32 to vector<16xf32>
          %neg3A_192 = arith.subf %neg3A_191, %abs3A : vector<16xf32>
          %exp3A_193 = math.exp %neg3A_192 : vector<16xf32>
          %broadcast_in_dim3A_194 = arith.constant 0.00370507035 : f32
          %broadcast_in_dim3A_195 = vector.broadcast %broadcast_in_dim3A_194 : f32 to vector<16xf32>
          %mul3A_196 = arith.mulf %broadcast_in_dim3A_195, %exp3A_193 : vector<16xf32>
          %add3A_197 = arith.constant -0.0227476936 : f32
          %add3A_198 = vector.broadcast %add3A_197 : f32 to vector<16xf32>
          %add3A_199 = arith.addf %mul3A_196, %add3A_198 : vector<16xf32>
          %mul3A_200 = arith.mulf %add3A_199, %exp3A_193 : vector<16xf32>
          %add3A_201 = arith.constant 0.065802522 : f32
          %add3A_202 = vector.broadcast %add3A_201 : f32 to vector<16xf32>
          %add3A_203 = arith.addf %mul3A_200, %add3A_202 : vector<16xf32>
          %mul3A_204 = arith.mulf %add3A_203, %exp3A_193 : vector<16xf32>
          %add3A_205 = arith.constant -0.12435104 : f32
          %add3A_206 = vector.broadcast %add3A_205 : f32 to vector<16xf32>
          %add3A_207 = arith.addf %mul3A_204, %add3A_206 : vector<16xf32>
          %mul3A_208 = arith.mulf %add3A_207, %exp3A_193 : vector<16xf32>
          %add3A_209 = arith.constant 0.18400532 : f32
          %add3A_210 = vector.broadcast %add3A_209 : f32 to vector<16xf32>
          %add3A_211 = arith.addf %mul3A_208, %add3A_210 : vector<16xf32>
          %mul3A_212 = arith.mulf %add3A_211, %exp3A_193 : vector<16xf32>
          %add3A_213 = arith.constant -0.246055305 : f32
          %add3A_214 = vector.broadcast %add3A_213 : f32 to vector<16xf32>
          %add3A_215 = arith.addf %mul3A_212, %add3A_214 : vector<16xf32>
          %mul3A_216 = arith.mulf %add3A_215, %exp3A_193 : vector<16xf32>
          %add3A_217 = arith.constant 3.327420e-01 : f32
          %add3A_218 = vector.broadcast %add3A_217 : f32 to vector<16xf32>
          %add3A_219 = arith.addf %mul3A_216, %add3A_218 : vector<16xf32>
          %mul3A_220 = arith.mulf %add3A_219, %exp3A_193 : vector<16xf32>
          %add3A_221 = arith.constant -4.999520e-01 : f32
          %add3A_222 = vector.broadcast %add3A_221 : f32 to vector<16xf32>
          %add3A_223 = arith.addf %mul3A_220, %add3A_222 : vector<16xf32>
          %mul3A_224 = arith.mulf %add3A_223, %exp3A_193 : vector<16xf32>
          %add3A_225 = arith.constant 0.999998331 : f32
          %add3A_226 = vector.broadcast %add3A_225 : f32 to vector<16xf32>
          %add3A_227 = arith.addf %mul3A_224, %add3A_226 : vector<16xf32>
          %mul3A_228 = arith.mulf %add3A_227, %exp3A_193 : vector<16xf32>
          %add3A_229 = arith.constant 1.47702934E-8 : f32
          %add3A_230 = vector.broadcast %add3A_229 : f32 to vector<16xf32>
          %add3A_231 = arith.addf %mul3A_228, %add3A_230 : vector<16xf32>
          %max3A = arith.constant 0.000000e+00 : f32
          %max3A_232 = vector.broadcast %max3A : f32 to vector<16xf32>
          %max3A_233 = arith.maximumf %sub3A_162, %max3A_232 : vector<16xf32>
          %sub3A_234 = arith.subf %max3A_233, %select_n3A_190 : vector<16xf32>
          %add3A_235 = arith.addf %sub3A_234, %add3A_231 : vector<16xf32>
          %add3A_236 = arith.addf %scan3A_151, %select_n3A_187 : vector<16xf32>
          %mul3A_237 = arith.mulf %select_n3A_187, %add3A_235 : vector<16xf32>
          %add3A_238 = arith.addf %scan3A_152, %mul3A_237 : vector<16xf32>
          scf.yield %add3A_236, %add3A_238 : vector<16xf32>, vector<16xf32>
        }
        %scan3A_118 = arith.constant 128 : i32
        %mul3A_119 = arith.constant 2 : i32
        %mul3A_120 = arith.muli %mul3A_119, %while3A_85 : i32
        %add3A_121 = arith.constant 2 : i32
        %add3A_122 = arith.addi %mul3A_120, %add3A_121 : i32
        %mul3A_123 = arith.constant 2048 : i32
        %mul3A_124 = arith.muli %add3A_122, %mul3A_123 : i32
        %add3A_125 = arith.addi %multiple_of3A_52, %mul3A_124 : i32
        %mul3A_126 = arith.constant 2 : i32
        %mul3A_127 = arith.muli %add3A_125, %mul3A_126 : i32
        "tpu.region"() ({
          %run_scoped3A = tpu.sem_alloc : memref<!tpu.dma_semaphore, #tpu.memory_space<semaphore_mem>>
          %dma_start3A_150 = tpu.memref_slice %arg4[%mul3A_127] : memref<8912896xi32, #tpu.memory_space<hbm>> -> memref<4096xi32, #tpu.memory_space<hbm>>
          %dma_start3A_151 = tpu.memref_slice %arg4[%mul3A_127] : memref<8912896xi32, #tpu.memory_space<hbm>> -> memref<4096xi32, #tpu.memory_space<hbm>>
          tpu.enqueue_dma source(%dma_start3A_151 : memref<4096xi32, #tpu.memory_space<hbm>>) target(%arg8 : memref<4096xi32, #tpu.memory_space<vmem>>) target_semaphore(%run_scoped3A : memref<!tpu.dma_semaphore, #tpu.memory_space<semaphore_mem>>)
          %dma_wait3A_152 = tpu.memref_slice %arg4[%mul3A_127] : memref<8912896xi32, #tpu.memory_space<hbm>> -> memref<4096xi32, #tpu.memory_space<hbm>>
          %dma_wait3A_153 = tpu.memref_slice %arg4[%mul3A_127] : memref<8912896xi32, #tpu.memory_space<hbm>> -> memref<4096xi32, #tpu.memory_space<hbm>>
          tpu.wait_dma2 semaphore(%run_scoped3A : memref<!tpu.dma_semaphore, #tpu.memory_space<semaphore_mem>>) src(%dma_wait3A_153 : memref<4096xi32, #tpu.memory_space<hbm>>) dst(%arg8 : memref<4096xi32, #tpu.memory_space<vmem>>)
          tpu.yield
        }) : () -> ()
        %dma_start3A_128 = arith.constant 2048 : i32
        %dma_start3A_129 = tpu.memref_slice %arg8[%dma_start3A_128] : memref<4096xi32, #tpu.memory_space<vmem>> -> memref<2048xi32, #tpu.memory_space<vmem>>
        %dma_start3A_130 = arith.constant 0 : i32
        %dma_start3A_131 = tpu.memref_slice %arg2[%dma_start3A_130] : memref<2097152xf32, #tpu.memory_space<hbm>> -> memref<2097152xf32, #tpu.memory_space<hbm>>
        tpu.enqueue_indirect_dma source(%dma_start3A_131 : memref<2097152xf32, #tpu.memory_space<hbm>>) target(%arg9 : memref<2048xf32, #tpu.memory_space<vmem>>) offsets(%dma_start3A_129 : memref<2048xi32, #tpu.memory_space<vmem>>) semaphore(%arg15 : memref<!tpu.dma_semaphore, #tpu.memory_space<semaphore_mem>>)
        %dma_start3A_132 = arith.constant 2048 : i32
        %dma_start3A_133 = tpu.memref_slice %arg8[%dma_start3A_132] : memref<4096xi32, #tpu.memory_space<vmem>> -> memref<2048xi32, #tpu.memory_space<vmem>>
        %dma_start3A_134 = arith.constant 0 : i32
        %dma_start3A_135 = tpu.memref_slice %arg3[%dma_start3A_134] : memref<2097152xi32, #tpu.memory_space<hbm>> -> memref<2097152xi32, #tpu.memory_space<hbm>>
        tpu.enqueue_indirect_dma source(%dma_start3A_135 : memref<2097152xi32, #tpu.memory_space<hbm>>) target(%arg10 : memref<2048xi32, #tpu.memory_space<vmem>>) offsets(%dma_start3A_133 : memref<2048xi32, #tpu.memory_space<vmem>>) semaphore(%arg15 : memref<!tpu.dma_semaphore, #tpu.memory_space<semaphore_mem>>)
        %dma_wait3A_136 = arith.constant 2048 : i32
        %dma_wait3A_137 = tpu.memref_slice %arg11[%dma_wait3A_136] : memref<4096xi32, #tpu.memory_space<vmem>> -> memref<2048xi32, #tpu.memory_space<vmem>>
        %dma_wait3A_138 = arith.constant 0 : i32
        %dma_wait3A_139 = tpu.memref_slice %arg2[%dma_wait3A_138] : memref<2097152xf32, #tpu.memory_space<hbm>> -> memref<2097152xf32, #tpu.memory_space<hbm>>
        tpu.wait_indirect_dma semaphore(%arg16 : memref<!tpu.dma_semaphore, #tpu.memory_space<semaphore_mem>>) src(%dma_wait3A_139 : memref<2097152xf32, #tpu.memory_space<hbm>>) dst(%arg12 : memref<2048xf32, #tpu.memory_space<vmem>>)
        %dma_wait3A_140 = arith.constant 2048 : i32
        %dma_wait3A_141 = tpu.memref_slice %arg11[%dma_wait3A_140] : memref<4096xi32, #tpu.memory_space<vmem>> -> memref<2048xi32, #tpu.memory_space<vmem>>
        %dma_wait3A_142 = arith.constant 0 : i32
        %dma_wait3A_143 = tpu.memref_slice %arg3[%dma_wait3A_142] : memref<2097152xi32, #tpu.memory_space<hbm>> -> memref<2097152xi32, #tpu.memory_space<hbm>>
        tpu.wait_indirect_dma semaphore(%arg16 : memref<!tpu.dma_semaphore, #tpu.memory_space<semaphore_mem>>) src(%dma_wait3A_143 : memref<2097152xi32, #tpu.memory_space<hbm>>) dst(%arg13 : memref<2048xi32, #tpu.memory_space<vmem>>)
        %scan3A_144 = arith.constant 0 : i32
        %scan3A_145 = arith.constant 128 : i32
        %scan3A_146 = arith.addi %scan3A_144, %scan3A_145 : i32
        %scan3A_147 = arith.constant 1 : i32
        %scan3A_148:2 = scf.for %scan3A_150 = %scan3A_144 to %scan3A_146 step %scan3A_147 iter_args(%scan3A_151 = %scan3A_117#0, %scan3A_152 = %scan3A_117#1) -> (vector<16xf32>, vector<16xf32>)  : i32 {
          %mul3A_153 = arith.constant 16 : i32
          %mul3A_154 = arith.muli %scan3A_150, %mul3A_153 : i32
          %multiple_of3A_155 = tpu.assume_multiple %mul3A_154, 16 : i32
          %get3A = arith.index_cast %multiple_of3A_155 : i32 to index
          %get3A_156 = tpu.vector_load %arg11[%get3A] {strides = array<i32>} : memref<4096xi32, #tpu.memory_space<vmem>>, vector<16xi32>,
          %gather3A = tpu.vector_load_idx %arg6[%get3A_156] : memref<32768xf32, #tpu.memory_space<vmem>>[vector<16xi32>], vector<16xf32>,
          %gather3A_157 = tpu.vector_load_idx %arg7[%get3A_156] : memref<32768xi32, #tpu.memory_space<vmem>>[vector<16xi32>], vector<16xi32>,
          %get3A_158 = arith.index_cast %multiple_of3A_155 : i32 to index
          %get3A_159 = tpu.vector_load %arg12[%get3A_158] {strides = array<i32>} : memref<2048xf32, #tpu.memory_space<vmem>>, vector<16xf32>,
          %get3A_160 = arith.index_cast %multiple_of3A_155 : i32 to index
          %get3A_161 = tpu.vector_load %arg13[%get3A_160] {strides = array<i32>} : memref<2048xi32, #tpu.memory_space<vmem>>, vector<16xi32>,
          %sub3A_162 = arith.subf %gather3A, %get3A_159 : vector<16xf32>
          %shift_right_arithmetic3A = arith.constant 11 : i32
          %shift_right_arithmetic3A_163 = vector.broadcast %shift_right_arithmetic3A : i32 to vector<16xi32>
          %shift_right_arithmetic3A_164 = arith.shrsi %gather3A_157, %shift_right_arithmetic3A_163 : vector<16xi32>
          %shift_right_arithmetic3A_165 = arith.constant 11 : i32
          %shift_right_arithmetic3A_166 = vector.broadcast %shift_right_arithmetic3A_165 : i32 to vector<16xi32>
          %shift_right_arithmetic3A_167 = arith.shrsi %get3A_161, %shift_right_arithmetic3A_166 : vector<16xi32>
          %and3A_168 = arith.constant 2047 : i32
          %and3A_169 = vector.broadcast %and3A_168 : i32 to vector<16xi32>
          %and3A_170 = arith.andi %gather3A_157, %and3A_169 : vector<16xi32>
          %and3A_171 = arith.constant 2047 : i32
          %and3A_172 = vector.broadcast %and3A_171 : i32 to vector<16xi32>
          %and3A_173 = arith.andi %get3A_161, %and3A_172 : vector<16xi32>
          %add3A_174 = arith.addi %and3A_170, %and3A_173 : vector<16xi32>
          %convert_element_type3A = arith.sitofp %add3A_174 : vector<16xi32> to vector<16xf32>
          %mul3A_175 = arith.constant 4.88519785E-4 : f32
          %mul3A_176 = vector.broadcast %mul3A_175 : f32 to vector<16xf32>
          %mul3A_177 = arith.mulf %convert_element_type3A, %mul3A_176 : vector<16xf32>
          %exp3A = math.exp %mul3A_177 : vector<16xf32>
          %add3A_178 = arith.constant 1.000000e+00 : f32
          %add3A_179 = vector.broadcast %add3A_178 : f32 to vector<16xf32>
          %add3A_180 = arith.addf %add3A_179, %exp3A : vector<16xf32>
          %div3A_181 = arith.constant 1.000000e+00 : f32
          %div3A_182 = vector.broadcast %div3A_181 : f32 to vector<16xf32>
          %div3A_183 = arith.divf %div3A_182, %add3A_180 : vector<16xf32>
          %ne3A_184 = arith.cmpi ne, %shift_right_arithmetic3A_164, %shift_right_arithmetic3A_167 : vector<16xi32>
          %jit3A_185 = arith.constant 0.000000e+00 : f32
          %broadcast_in_dim3A_186 = vector.broadcast %jit3A_185 : f32 to vector<16xf32>
          %select_n3A_187 = arith.select %ne3A_184, %div3A_183, %broadcast_in_dim3A_186 : vector<16xi1>, vector<16xf32>
          %gt3A = arith.cmpi sgt, %shift_right_arithmetic3A_164, %shift_right_arithmetic3A_167 : vector<16xi32>
          %jit3A_188 = arith.constant 0.000000e+00 : f32
          %broadcast_in_dim3A_189 = vector.broadcast %jit3A_188 : f32 to vector<16xf32>
          %select_n3A_190 = arith.select %gt3A, %sub3A_162, %broadcast_in_dim3A_189 : vector<16xi1>, vector<16xf32>
          %abs3A = math.absf %sub3A_162 : vector<16xf32>
          %neg3A = arith.constant 0.000000e+00 : f32
          %neg3A_191 = vector.broadcast %neg3A : f32 to vector<16xf32>
          %neg3A_192 = arith.subf %neg3A_191, %abs3A : vector<16xf32>
          %exp3A_193 = math.exp %neg3A_192 : vector<16xf32>
          %broadcast_in_dim3A_194 = arith.constant 0.00370507035 : f32
          %broadcast_in_dim3A_195 = vector.broadcast %broadcast_in_dim3A_194 : f32 to vector<16xf32>
          %mul3A_196 = arith.mulf %broadcast_in_dim3A_195, %exp3A_193 : vector<16xf32>
          %add3A_197 = arith.constant -0.0227476936 : f32
          %add3A_198 = vector.broadcast %add3A_197 : f32 to vector<16xf32>
          %add3A_199 = arith.addf %mul3A_196, %add3A_198 : vector<16xf32>
          %mul3A_200 = arith.mulf %add3A_199, %exp3A_193 : vector<16xf32>
          %add3A_201 = arith.constant 0.065802522 : f32
          %add3A_202 = vector.broadcast %add3A_201 : f32 to vector<16xf32>
          %add3A_203 = arith.addf %mul3A_200, %add3A_202 : vector<16xf32>
          %mul3A_204 = arith.mulf %add3A_203, %exp3A_193 : vector<16xf32>
          %add3A_205 = arith.constant -0.12435104 : f32
          %add3A_206 = vector.broadcast %add3A_205 : f32 to vector<16xf32>
          %add3A_207 = arith.addf %mul3A_204, %add3A_206 : vector<16xf32>
          %mul3A_208 = arith.mulf %add3A_207, %exp3A_193 : vector<16xf32>
          %add3A_209 = arith.constant 0.18400532 : f32
          %add3A_210 = vector.broadcast %add3A_209 : f32 to vector<16xf32>
          %add3A_211 = arith.addf %mul3A_208, %add3A_210 : vector<16xf32>
          %mul3A_212 = arith.mulf %add3A_211, %exp3A_193 : vector<16xf32>
          %add3A_213 = arith.constant -0.246055305 : f32
          %add3A_214 = vector.broadcast %add3A_213 : f32 to vector<16xf32>
          %add3A_215 = arith.addf %mul3A_212, %add3A_214 : vector<16xf32>
          %mul3A_216 = arith.mulf %add3A_215, %exp3A_193 : vector<16xf32>
          %add3A_217 = arith.constant 3.327420e-01 : f32
          %add3A_218 = vector.broadcast %add3A_217 : f32 to vector<16xf32>
          %add3A_219 = arith.addf %mul3A_216, %add3A_218 : vector<16xf32>
          %mul3A_220 = arith.mulf %add3A_219, %exp3A_193 : vector<16xf32>
          %add3A_221 = arith.constant -4.999520e-01 : f32
          %add3A_222 = vector.broadcast %add3A_221 : f32 to vector<16xf32>
          %add3A_223 = arith.addf %mul3A_220, %add3A_222 : vector<16xf32>
          %mul3A_224 = arith.mulf %add3A_223, %exp3A_193 : vector<16xf32>
          %add3A_225 = arith.constant 0.999998331 : f32
          %add3A_226 = vector.broadcast %add3A_225 : f32 to vector<16xf32>
          %add3A_227 = arith.addf %mul3A_224, %add3A_226 : vector<16xf32>
          %mul3A_228 = arith.mulf %add3A_227, %exp3A_193 : vector<16xf32>
          %add3A_229 = arith.constant 1.47702934E-8 : f32
          %add3A_230 = vector.broadcast %add3A_229 : f32 to vector<16xf32>
          %add3A_231 = arith.addf %mul3A_228, %add3A_230 : vector<16xf32>
          %max3A = arith.constant 0.000000e+00 : f32
          %max3A_232 = vector.broadcast %max3A : f32 to vector<16xf32>
          %max3A_233 = arith.maximumf %sub3A_162, %max3A_232 : vector<16xf32>
          %sub3A_234 = arith.subf %max3A_233, %select_n3A_190 : vector<16xf32>
          %add3A_235 = arith.addf %sub3A_234, %add3A_231 : vector<16xf32>
          %add3A_236 = arith.addf %scan3A_151, %select_n3A_187 : vector<16xf32>
          %mul3A_237 = arith.mulf %select_n3A_187, %add3A_235 : vector<16xf32>
          %add3A_238 = arith.addf %scan3A_152, %mul3A_237 : vector<16xf32>
          scf.yield %add3A_236, %add3A_238 : vector<16xf32>, vector<16xf32>
        }
        %scan3A_149 = arith.constant 128 : i32
        scf.yield %scan3A_148#0, %scan3A_148#1 : vector<16xf32>, vector<16xf32>
      }
      %while3A_70 = arith.constant 1 : i32
      %while3A_71:2 = scf.for %while3A_85 = %while3A_67 to %while3A_63 step %while3A_70 iter_args(%while3A_86 = %while3A_69#0, %while3A_87 = %while3A_69#1) -> (vector<16xf32>, vector<16xf32>)  : i32 {
        %mul3A_88 = arith.constant 2 : i32
        %mul3A_89 = arith.muli %mul3A_88, %while3A_85 : i32
        %add3A_90 = arith.constant 1 : i32
        %add3A_91 = arith.addi %mul3A_89, %add3A_90 : i32
        %mul3A_92 = arith.constant 2048 : i32
        %mul3A_93 = arith.muli %add3A_91, %mul3A_92 : i32
        %add3A_94 = arith.addi %multiple_of3A_52, %mul3A_93 : i32
        %mul3A_95 = arith.constant 2 : i32
        %mul3A_96 = arith.muli %add3A_94, %mul3A_95 : i32
        "tpu.region"() ({
          %run_scoped3A = tpu.sem_alloc : memref<!tpu.dma_semaphore, #tpu.memory_space<semaphore_mem>>
          %dma_start3A_150 = tpu.memref_slice %arg4[%mul3A_96] : memref<8912896xi32, #tpu.memory_space<hbm>> -> memref<4096xi32, #tpu.memory_space<hbm>>
          %dma_start3A_151 = tpu.memref_slice %arg4[%mul3A_96] : memref<8912896xi32, #tpu.memory_space<hbm>> -> memref<4096xi32, #tpu.memory_space<hbm>>
          tpu.enqueue_dma source(%dma_start3A_151 : memref<4096xi32, #tpu.memory_space<hbm>>) target(%arg11 : memref<4096xi32, #tpu.memory_space<vmem>>) target_semaphore(%run_scoped3A : memref<!tpu.dma_semaphore, #tpu.memory_space<semaphore_mem>>)
          %dma_wait3A_152 = tpu.memref_slice %arg4[%mul3A_96] : memref<8912896xi32, #tpu.memory_space<hbm>> -> memref<4096xi32, #tpu.memory_space<hbm>>
          %dma_wait3A_153 = tpu.memref_slice %arg4[%mul3A_96] : memref<8912896xi32, #tpu.memory_space<hbm>> -> memref<4096xi32, #tpu.memory_space<hbm>>
          tpu.wait_dma2 semaphore(%run_scoped3A : memref<!tpu.dma_semaphore, #tpu.memory_space<semaphore_mem>>) src(%dma_wait3A_153 : memref<4096xi32, #tpu.memory_space<hbm>>) dst(%arg11 : memref<4096xi32, #tpu.memory_space<vmem>>)
          tpu.yield
        }) : () -> ()
        %dma_start3A_97 = arith.constant 2048 : i32
        %dma_start3A_98 = tpu.memref_slice %arg11[%dma_start3A_97] : memref<4096xi32, #tpu.memory_space<vmem>> -> memref<2048xi32, #tpu.memory_space<vmem>>
        %dma_start3A_99 = arith.constant 0 : i32
        %dma_start3A_100 = tpu.memref_slice %arg2[%dma_start3A_99] : memref<2097152xf32, #tpu.memory_space<hbm>> -> memref<2097152xf32, #tpu.memory_space<hbm>>
        tpu.enqueue_indirect_dma source(%dma_start3A_100 : memref<2097152xf32, #tpu.memory_space<hbm>>) target(%arg12 : memref<2048xf32, #tpu.memory_space<vmem>>) offsets(%dma_start3A_98 : memref<2048xi32, #tpu.memory_space<vmem>>) semaphore(%arg16 : memref<!tpu.dma_semaphore, #tpu.memory_space<semaphore_mem>>)
        %dma_start3A_101 = arith.constant 2048 : i32
        %dma_start3A_102 = tpu.memref_slice %arg11[%dma_start3A_101] : memref<4096xi32, #tpu.memory_space<vmem>> -> memref<2048xi32, #tpu.memory_space<vmem>>
        %dma_start3A_103 = arith.constant 0 : i32
        %dma_start3A_104 = tpu.memref_slice %arg3[%dma_start3A_103] : memref<2097152xi32, #tpu.memory_space<hbm>> -> memref<2097152xi32, #tpu.memory_space<hbm>>
        tpu.enqueue_indirect_dma source(%dma_start3A_104 : memref<2097152xi32, #tpu.memory_space<hbm>>) target(%arg13 : memref<2048xi32, #tpu.memory_space<vmem>>) offsets(%dma_start3A_102 : memref<2048xi32, #tpu.memory_space<vmem>>) semaphore(%arg16 : memref<!tpu.dma_semaphore, #tpu.memory_space<semaphore_mem>>)
        %dma_wait3A_105 = arith.constant 2048 : i32
        %dma_wait3A_106 = tpu.memref_slice %arg8[%dma_wait3A_105] : memref<4096xi32, #tpu.memory_space<vmem>> -> memref<2048xi32, #tpu.memory_space<vmem>>
        %dma_wait3A_107 = arith.constant 0 : i32
        %dma_wait3A_108 = tpu.memref_slice %arg2[%dma_wait3A_107] : memref<2097152xf32, #tpu.memory_space<hbm>> -> memref<2097152xf32, #tpu.memory_space<hbm>>
        tpu.wait_indirect_dma semaphore(%arg15 : memref<!tpu.dma_semaphore, #tpu.memory_space<semaphore_mem>>) src(%dma_wait3A_108 : memref<2097152xf32, #tpu.memory_space<hbm>>) dst(%arg9 : memref<2048xf32, #tpu.memory_space<vmem>>)
        %dma_wait3A_109 = arith.constant 2048 : i32
        %dma_wait3A_110 = tpu.memref_slice %arg8[%dma_wait3A_109] : memref<4096xi32, #tpu.memory_space<vmem>> -> memref<2048xi32, #tpu.memory_space<vmem>>
        %dma_wait3A_111 = arith.constant 0 : i32
        %dma_wait3A_112 = tpu.memref_slice %arg3[%dma_wait3A_111] : memref<2097152xi32, #tpu.memory_space<hbm>> -> memref<2097152xi32, #tpu.memory_space<hbm>>
        tpu.wait_indirect_dma semaphore(%arg15 : memref<!tpu.dma_semaphore, #tpu.memory_space<semaphore_mem>>) src(%dma_wait3A_112 : memref<2097152xi32, #tpu.memory_space<hbm>>) dst(%arg10 : memref<2048xi32, #tpu.memory_space<vmem>>)
        %scan3A_113 = arith.constant 0 : i32
        %scan3A_114 = arith.constant 128 : i32
        %scan3A_115 = arith.addi %scan3A_113, %scan3A_114 : i32
        %scan3A_116 = arith.constant 1 : i32
        %scan3A_117:2 = scf.for %scan3A_150 = %scan3A_113 to %scan3A_115 step %scan3A_116 iter_args(%scan3A_151 = %while3A_86, %scan3A_152 = %while3A_87) -> (vector<16xf32>, vector<16xf32>)  : i32 {
          %mul3A_153 = arith.constant 16 : i32
          %mul3A_154 = arith.muli %scan3A_150, %mul3A_153 : i32
          %multiple_of3A_155 = tpu.assume_multiple %mul3A_154, 16 : i32
          %get3A = arith.index_cast %multiple_of3A_155 : i32 to index
          %get3A_156 = tpu.vector_load %arg8[%get3A] {strides = array<i32>} : memref<4096xi32, #tpu.memory_space<vmem>>, vector<16xi32>,
          %gather3A = tpu.vector_load_idx %arg6[%get3A_156] : memref<32768xf32, #tpu.memory_space<vmem>>[vector<16xi32>], vector<16xf32>,
          %gather3A_157 = tpu.vector_load_idx %arg7[%get3A_156] : memref<32768xi32, #tpu.memory_space<vmem>>[vector<16xi32>], vector<16xi32>,
          %get3A_158 = arith.index_cast %multiple_of3A_155 : i32 to index
          %get3A_159 = tpu.vector_load %arg9[%get3A_158] {strides = array<i32>} : memref<2048xf32, #tpu.memory_space<vmem>>, vector<16xf32>,
          %get3A_160 = arith.index_cast %multiple_of3A_155 : i32 to index
          %get3A_161 = tpu.vector_load %arg10[%get3A_160] {strides = array<i32>} : memref<2048xi32, #tpu.memory_space<vmem>>, vector<16xi32>,
          %sub3A_162 = arith.subf %gather3A, %get3A_159 : vector<16xf32>
          %shift_right_arithmetic3A = arith.constant 11 : i32
          %shift_right_arithmetic3A_163 = vector.broadcast %shift_right_arithmetic3A : i32 to vector<16xi32>
          %shift_right_arithmetic3A_164 = arith.shrsi %gather3A_157, %shift_right_arithmetic3A_163 : vector<16xi32>
          %shift_right_arithmetic3A_165 = arith.constant 11 : i32
          %shift_right_arithmetic3A_166 = vector.broadcast %shift_right_arithmetic3A_165 : i32 to vector<16xi32>
          %shift_right_arithmetic3A_167 = arith.shrsi %get3A_161, %shift_right_arithmetic3A_166 : vector<16xi32>
          %and3A_168 = arith.constant 2047 : i32
          %and3A_169 = vector.broadcast %and3A_168 : i32 to vector<16xi32>
          %and3A_170 = arith.andi %gather3A_157, %and3A_169 : vector<16xi32>
          %and3A_171 = arith.constant 2047 : i32
          %and3A_172 = vector.broadcast %and3A_171 : i32 to vector<16xi32>
          %and3A_173 = arith.andi %get3A_161, %and3A_172 : vector<16xi32>
          %add3A_174 = arith.addi %and3A_170, %and3A_173 : vector<16xi32>
          %convert_element_type3A = arith.sitofp %add3A_174 : vector<16xi32> to vector<16xf32>
          %mul3A_175 = arith.constant 4.88519785E-4 : f32
          %mul3A_176 = vector.broadcast %mul3A_175 : f32 to vector<16xf32>
          %mul3A_177 = arith.mulf %convert_element_type3A, %mul3A_176 : vector<16xf32>
          %exp3A = math.exp %mul3A_177 : vector<16xf32>
          %add3A_178 = arith.constant 1.000000e+00 : f32
          %add3A_179 = vector.broadcast %add3A_178 : f32 to vector<16xf32>
          %add3A_180 = arith.addf %add3A_179, %exp3A : vector<16xf32>
          %div3A_181 = arith.constant 1.000000e+00 : f32
          %div3A_182 = vector.broadcast %div3A_181 : f32 to vector<16xf32>
          %div3A_183 = arith.divf %div3A_182, %add3A_180 : vector<16xf32>
          %ne3A_184 = arith.cmpi ne, %shift_right_arithmetic3A_164, %shift_right_arithmetic3A_167 : vector<16xi32>
          %jit3A_185 = arith.constant 0.000000e+00 : f32
          %broadcast_in_dim3A_186 = vector.broadcast %jit3A_185 : f32 to vector<16xf32>
          %select_n3A_187 = arith.select %ne3A_184, %div3A_183, %broadcast_in_dim3A_186 : vector<16xi1>, vector<16xf32>
          %gt3A = arith.cmpi sgt, %shift_right_arithmetic3A_164, %shift_right_arithmetic3A_167 : vector<16xi32>
          %jit3A_188 = arith.constant 0.000000e+00 : f32
          %broadcast_in_dim3A_189 = vector.broadcast %jit3A_188 : f32 to vector<16xf32>
          %select_n3A_190 = arith.select %gt3A, %sub3A_162, %broadcast_in_dim3A_189 : vector<16xi1>, vector<16xf32>
          %abs3A = math.absf %sub3A_162 : vector<16xf32>
          %neg3A = arith.constant 0.000000e+00 : f32
          %neg3A_191 = vector.broadcast %neg3A : f32 to vector<16xf32>
          %neg3A_192 = arith.subf %neg3A_191, %abs3A : vector<16xf32>
          %exp3A_193 = math.exp %neg3A_192 : vector<16xf32>
          %broadcast_in_dim3A_194 = arith.constant 0.00370507035 : f32
          %broadcast_in_dim3A_195 = vector.broadcast %broadcast_in_dim3A_194 : f32 to vector<16xf32>
          %mul3A_196 = arith.mulf %broadcast_in_dim3A_195, %exp3A_193 : vector<16xf32>
          %add3A_197 = arith.constant -0.0227476936 : f32
          %add3A_198 = vector.broadcast %add3A_197 : f32 to vector<16xf32>
          %add3A_199 = arith.addf %mul3A_196, %add3A_198 : vector<16xf32>
          %mul3A_200 = arith.mulf %add3A_199, %exp3A_193 : vector<16xf32>
          %add3A_201 = arith.constant 0.065802522 : f32
          %add3A_202 = vector.broadcast %add3A_201 : f32 to vector<16xf32>
          %add3A_203 = arith.addf %mul3A_200, %add3A_202 : vector<16xf32>
          %mul3A_204 = arith.mulf %add3A_203, %exp3A_193 : vector<16xf32>
          %add3A_205 = arith.constant -0.12435104 : f32
          %add3A_206 = vector.broadcast %add3A_205 : f32 to vector<16xf32>
          %add3A_207 = arith.addf %mul3A_204, %add3A_206 : vector<16xf32>
          %mul3A_208 = arith.mulf %add3A_207, %exp3A_193 : vector<16xf32>
          %add3A_209 = arith.constant 0.18400532 : f32
          %add3A_210 = vector.broadcast %add3A_209 : f32 to vector<16xf32>
          %add3A_211 = arith.addf %mul3A_208, %add3A_210 : vector<16xf32>
          %mul3A_212 = arith.mulf %add3A_211, %exp3A_193 : vector<16xf32>
          %add3A_213 = arith.constant -0.246055305 : f32
          %add3A_214 = vector.broadcast %add3A_213 : f32 to vector<16xf32>
          %add3A_215 = arith.addf %mul3A_212, %add3A_214 : vector<16xf32>
          %mul3A_216 = arith.mulf %add3A_215, %exp3A_193 : vector<16xf32>
          %add3A_217 = arith.constant 3.327420e-01 : f32
          %add3A_218 = vector.broadcast %add3A_217 : f32 to vector<16xf32>
          %add3A_219 = arith.addf %mul3A_216, %add3A_218 : vector<16xf32>
          %mul3A_220 = arith.mulf %add3A_219, %exp3A_193 : vector<16xf32>
          %add3A_221 = arith.constant -4.999520e-01 : f32
          %add3A_222 = vector.broadcast %add3A_221 : f32 to vector<16xf32>
          %add3A_223 = arith.addf %mul3A_220, %add3A_222 : vector<16xf32>
          %mul3A_224 = arith.mulf %add3A_223, %exp3A_193 : vector<16xf32>
          %add3A_225 = arith.constant 0.999998331 : f32
          %add3A_226 = vector.broadcast %add3A_225 : f32 to vector<16xf32>
          %add3A_227 = arith.addf %mul3A_224, %add3A_226 : vector<16xf32>
          %mul3A_228 = arith.mulf %add3A_227, %exp3A_193 : vector<16xf32>
          %add3A_229 = arith.constant 1.47702934E-8 : f32
          %add3A_230 = vector.broadcast %add3A_229 : f32 to vector<16xf32>
          %add3A_231 = arith.addf %mul3A_228, %add3A_230 : vector<16xf32>
          %max3A = arith.constant 0.000000e+00 : f32
          %max3A_232 = vector.broadcast %max3A : f32 to vector<16xf32>
          %max3A_233 = arith.maximumf %sub3A_162, %max3A_232 : vector<16xf32>
          %sub3A_234 = arith.subf %max3A_233, %select_n3A_190 : vector<16xf32>
          %add3A_235 = arith.addf %sub3A_234, %add3A_231 : vector<16xf32>
          %add3A_236 = arith.addf %scan3A_151, %select_n3A_187 : vector<16xf32>
          %mul3A_237 = arith.mulf %select_n3A_187, %add3A_235 : vector<16xf32>
          %add3A_238 = arith.addf %scan3A_152, %mul3A_237 : vector<16xf32>
          scf.yield %add3A_236, %add3A_238 : vector<16xf32>, vector<16xf32>
        }
        %scan3A_118 = arith.constant 128 : i32
        %mul3A_119 = arith.constant 2 : i32
        %mul3A_120 = arith.muli %mul3A_119, %while3A_85 : i32
        %add3A_121 = arith.constant 2 : i32
        %add3A_122 = arith.addi %mul3A_120, %add3A_121 : i32
        %mul3A_123 = arith.constant 2048 : i32
        %mul3A_124 = arith.muli %add3A_122, %mul3A_123 : i32
        %add3A_125 = arith.addi %multiple_of3A_52, %mul3A_124 : i32
        %mul3A_126 = arith.constant 2 : i32
        %mul3A_127 = arith.muli %add3A_125, %mul3A_126 : i32
        "tpu.region"() ({
          %run_scoped3A = tpu.sem_alloc : memref<!tpu.dma_semaphore, #tpu.memory_space<semaphore_mem>>
          %dma_start3A_150 = tpu.memref_slice %arg4[%mul3A_127] : memref<8912896xi32, #tpu.memory_space<hbm>> -> memref<4096xi32, #tpu.memory_space<hbm>>
          %dma_start3A_151 = tpu.memref_slice %arg4[%mul3A_127] : memref<8912896xi32, #tpu.memory_space<hbm>> -> memref<4096xi32, #tpu.memory_space<hbm>>
          tpu.enqueue_dma source(%dma_start3A_151 : memref<4096xi32, #tpu.memory_space<hbm>>) target(%arg8 : memref<4096xi32, #tpu.memory_space<vmem>>) target_semaphore(%run_scoped3A : memref<!tpu.dma_semaphore, #tpu.memory_space<semaphore_mem>>)
          %dma_wait3A_152 = tpu.memref_slice %arg4[%mul3A_127] : memref<8912896xi32, #tpu.memory_space<hbm>> -> memref<4096xi32, #tpu.memory_space<hbm>>
          %dma_wait3A_153 = tpu.memref_slice %arg4[%mul3A_127] : memref<8912896xi32, #tpu.memory_space<hbm>> -> memref<4096xi32, #tpu.memory_space<hbm>>
          tpu.wait_dma2 semaphore(%run_scoped3A : memref<!tpu.dma_semaphore, #tpu.memory_space<semaphore_mem>>) src(%dma_wait3A_153 : memref<4096xi32, #tpu.memory_space<hbm>>) dst(%arg8 : memref<4096xi32, #tpu.memory_space<vmem>>)
          tpu.yield
        }) : () -> ()
        %dma_start3A_128 = arith.constant 2048 : i32
        %dma_start3A_129 = tpu.memref_slice %arg8[%dma_start3A_128] : memref<4096xi32, #tpu.memory_space<vmem>> -> memref<2048xi32, #tpu.memory_space<vmem>>
        %dma_start3A_130 = arith.constant 0 : i32
        %dma_start3A_131 = tpu.memref_slice %arg2[%dma_start3A_130] : memref<2097152xf32, #tpu.memory_space<hbm>> -> memref<2097152xf32, #tpu.memory_space<hbm>>
        tpu.enqueue_indirect_dma source(%dma_start3A_131 : memref<2097152xf32, #tpu.memory_space<hbm>>) target(%arg9 : memref<2048xf32, #tpu.memory_space<vmem>>) offsets(%dma_start3A_129 : memref<2048xi32, #tpu.memory_space<vmem>>) semaphore(%arg15 : memref<!tpu.dma_semaphore, #tpu.memory_space<semaphore_mem>>)
        %dma_start3A_132 = arith.constant 2048 : i32
        %dma_start3A_133 = tpu.memref_slice %arg8[%dma_start3A_132] : memref<4096xi32, #tpu.memory_space<vmem>> -> memref<2048xi32, #tpu.memory_space<vmem>>
        %dma_start3A_134 = arith.constant 0 : i32
        %dma_start3A_135 = tpu.memref_slice %arg3[%dma_start3A_134] : memref<2097152xi32, #tpu.memory_space<hbm>> -> memref<2097152xi32, #tpu.memory_space<hbm>>
        tpu.enqueue_indirect_dma source(%dma_start3A_135 : memref<2097152xi32, #tpu.memory_space<hbm>>) target(%arg10 : memref<2048xi32, #tpu.memory_space<vmem>>) offsets(%dma_start3A_133 : memref<2048xi32, #tpu.memory_space<vmem>>) semaphore(%arg15 : memref<!tpu.dma_semaphore, #tpu.memory_space<semaphore_mem>>)
        %dma_wait3A_136 = arith.constant 2048 : i32
        %dma_wait3A_137 = tpu.memref_slice %arg11[%dma_wait3A_136] : memref<4096xi32, #tpu.memory_space<vmem>> -> memref<2048xi32, #tpu.memory_space<vmem>>
        %dma_wait3A_138 = arith.constant 0 : i32
        %dma_wait3A_139 = tpu.memref_slice %arg2[%dma_wait3A_138] : memref<2097152xf32, #tpu.memory_space<hbm>> -> memref<2097152xf32, #tpu.memory_space<hbm>>
        tpu.wait_indirect_dma semaphore(%arg16 : memref<!tpu.dma_semaphore, #tpu.memory_space<semaphore_mem>>) src(%dma_wait3A_139 : memref<2097152xf32, #tpu.memory_space<hbm>>) dst(%arg12 : memref<2048xf32, #tpu.memory_space<vmem>>)
        %dma_wait3A_140 = arith.constant 2048 : i32
        %dma_wait3A_141 = tpu.memref_slice %arg11[%dma_wait3A_140] : memref<4096xi32, #tpu.memory_space<vmem>> -> memref<2048xi32, #tpu.memory_space<vmem>>
        %dma_wait3A_142 = arith.constant 0 : i32
        %dma_wait3A_143 = tpu.memref_slice %arg3[%dma_wait3A_142] : memref<2097152xi32, #tpu.memory_space<hbm>> -> memref<2097152xi32, #tpu.memory_space<hbm>>
        tpu.wait_indirect_dma semaphore(%arg16 : memref<!tpu.dma_semaphore, #tpu.memory_space<semaphore_mem>>) src(%dma_wait3A_143 : memref<2097152xi32, #tpu.memory_space<hbm>>) dst(%arg13 : memref<2048xi32, #tpu.memory_space<vmem>>)
        %scan3A_144 = arith.constant 0 : i32
        %scan3A_145 = arith.constant 128 : i32
        %scan3A_146 = arith.addi %scan3A_144, %scan3A_145 : i32
        %scan3A_147 = arith.constant 1 : i32
        %scan3A_148:2 = scf.for %scan3A_150 = %scan3A_144 to %scan3A_146 step %scan3A_147 iter_args(%scan3A_151 = %scan3A_117#0, %scan3A_152 = %scan3A_117#1) -> (vector<16xf32>, vector<16xf32>)  : i32 {
          %mul3A_153 = arith.constant 16 : i32
          %mul3A_154 = arith.muli %scan3A_150, %mul3A_153 : i32
          %multiple_of3A_155 = tpu.assume_multiple %mul3A_154, 16 : i32
          %get3A = arith.index_cast %multiple_of3A_155 : i32 to index
          %get3A_156 = tpu.vector_load %arg11[%get3A] {strides = array<i32>} : memref<4096xi32, #tpu.memory_space<vmem>>, vector<16xi32>,
          %gather3A = tpu.vector_load_idx %arg6[%get3A_156] : memref<32768xf32, #tpu.memory_space<vmem>>[vector<16xi32>], vector<16xf32>,
          %gather3A_157 = tpu.vector_load_idx %arg7[%get3A_156] : memref<32768xi32, #tpu.memory_space<vmem>>[vector<16xi32>], vector<16xi32>,
          %get3A_158 = arith.index_cast %multiple_of3A_155 : i32 to index
          %get3A_159 = tpu.vector_load %arg12[%get3A_158] {strides = array<i32>} : memref<2048xf32, #tpu.memory_space<vmem>>, vector<16xf32>,
          %get3A_160 = arith.index_cast %multiple_of3A_155 : i32 to index
          %get3A_161 = tpu.vector_load %arg13[%get3A_160] {strides = array<i32>} : memref<2048xi32, #tpu.memory_space<vmem>>, vector<16xi32>,
          %sub3A_162 = arith.subf %gather3A, %get3A_159 : vector<16xf32>
          %shift_right_arithmetic3A = arith.constant 11 : i32
          %shift_right_arithmetic3A_163 = vector.broadcast %shift_right_arithmetic3A : i32 to vector<16xi32>
          %shift_right_arithmetic3A_164 = arith.shrsi %gather3A_157, %shift_right_arithmetic3A_163 : vector<16xi32>
          %shift_right_arithmetic3A_165 = arith.constant 11 : i32
          %shift_right_arithmetic3A_166 = vector.broadcast %shift_right_arithmetic3A_165 : i32 to vector<16xi32>
          %shift_right_arithmetic3A_167 = arith.shrsi %get3A_161, %shift_right_arithmetic3A_166 : vector<16xi32>
          %and3A_168 = arith.constant 2047 : i32
          %and3A_169 = vector.broadcast %and3A_168 : i32 to vector<16xi32>
          %and3A_170 = arith.andi %gather3A_157, %and3A_169 : vector<16xi32>
          %and3A_171 = arith.constant 2047 : i32
          %and3A_172 = vector.broadcast %and3A_171 : i32 to vector<16xi32>
          %and3A_173 = arith.andi %get3A_161, %and3A_172 : vector<16xi32>
          %add3A_174 = arith.addi %and3A_170, %and3A_173 : vector<16xi32>
          %convert_element_type3A = arith.sitofp %add3A_174 : vector<16xi32> to vector<16xf32>
          %mul3A_175 = arith.constant 4.88519785E-4 : f32
          %mul3A_176 = vector.broadcast %mul3A_175 : f32 to vector<16xf32>
          %mul3A_177 = arith.mulf %convert_element_type3A, %mul3A_176 : vector<16xf32>
          %exp3A = math.exp %mul3A_177 : vector<16xf32>
          %add3A_178 = arith.constant 1.000000e+00 : f32
          %add3A_179 = vector.broadcast %add3A_178 : f32 to vector<16xf32>
          %add3A_180 = arith.addf %add3A_179, %exp3A : vector<16xf32>
          %div3A_181 = arith.constant 1.000000e+00 : f32
          %div3A_182 = vector.broadcast %div3A_181 : f32 to vector<16xf32>
          %div3A_183 = arith.divf %div3A_182, %add3A_180 : vector<16xf32>
          %ne3A_184 = arith.cmpi ne, %shift_right_arithmetic3A_164, %shift_right_arithmetic3A_167 : vector<16xi32>
          %jit3A_185 = arith.constant 0.000000e+00 : f32
          %broadcast_in_dim3A_186 = vector.broadcast %jit3A_185 : f32 to vector<16xf32>
          %select_n3A_187 = arith.select %ne3A_184, %div3A_183, %broadcast_in_dim3A_186 : vector<16xi1>, vector<16xf32>
          %gt3A = arith.cmpi sgt, %shift_right_arithmetic3A_164, %shift_right_arithmetic3A_167 : vector<16xi32>
          %jit3A_188 = arith.constant 0.000000e+00 : f32
          %broadcast_in_dim3A_189 = vector.broadcast %jit3A_188 : f32 to vector<16xf32>
          %select_n3A_190 = arith.select %gt3A, %sub3A_162, %broadcast_in_dim3A_189 : vector<16xi1>, vector<16xf32>
          %abs3A = math.absf %sub3A_162 : vector<16xf32>
          %neg3A = arith.constant 0.000000e+00 : f32
          %neg3A_191 = vector.broadcast %neg3A : f32 to vector<16xf32>
          %neg3A_192 = arith.subf %neg3A_191, %abs3A : vector<16xf32>
          %exp3A_193 = math.exp %neg3A_192 : vector<16xf32>
          %broadcast_in_dim3A_194 = arith.constant 0.00370507035 : f32
          %broadcast_in_dim3A_195 = vector.broadcast %broadcast_in_dim3A_194 : f32 to vector<16xf32>
          %mul3A_196 = arith.mulf %broadcast_in_dim3A_195, %exp3A_193 : vector<16xf32>
          %add3A_197 = arith.constant -0.0227476936 : f32
          %add3A_198 = vector.broadcast %add3A_197 : f32 to vector<16xf32>
          %add3A_199 = arith.addf %mul3A_196, %add3A_198 : vector<16xf32>
          %mul3A_200 = arith.mulf %add3A_199, %exp3A_193 : vector<16xf32>
          %add3A_201 = arith.constant 0.065802522 : f32
          %add3A_202 = vector.broadcast %add3A_201 : f32 to vector<16xf32>
          %add3A_203 = arith.addf %mul3A_200, %add3A_202 : vector<16xf32>
          %mul3A_204 = arith.mulf %add3A_203, %exp3A_193 : vector<16xf32>
          %add3A_205 = arith.constant -0.12435104 : f32
          %add3A_206 = vector.broadcast %add3A_205 : f32 to vector<16xf32>
          %add3A_207 = arith.addf %mul3A_204, %add3A_206 : vector<16xf32>
          %mul3A_208 = arith.mulf %add3A_207, %exp3A_193 : vector<16xf32>
          %add3A_209 = arith.constant 0.18400532 : f32
          %add3A_210 = vector.broadcast %add3A_209 : f32 to vector<16xf32>
          %add3A_211 = arith.addf %mul3A_208, %add3A_210 : vector<16xf32>
          %mul3A_212 = arith.mulf %add3A_211, %exp3A_193 : vector<16xf32>
          %add3A_213 = arith.constant -0.246055305 : f32
          %add3A_214 = vector.broadcast %add3A_213 : f32 to vector<16xf32>
          %add3A_215 = arith.addf %mul3A_212, %add3A_214 : vector<16xf32>
          %mul3A_216 = arith.mulf %add3A_215, %exp3A_193 : vector<16xf32>
          %add3A_217 = arith.constant 3.327420e-01 : f32
          %add3A_218 = vector.broadcast %add3A_217 : f32 to vector<16xf32>
          %add3A_219 = arith.addf %mul3A_216, %add3A_218 : vector<16xf32>
          %mul3A_220 = arith.mulf %add3A_219, %exp3A_193 : vector<16xf32>
          %add3A_221 = arith.constant -4.999520e-01 : f32
          %add3A_222 = vector.broadcast %add3A_221 : f32 to vector<16xf32>
          %add3A_223 = arith.addf %mul3A_220, %add3A_222 : vector<16xf32>
          %mul3A_224 = arith.mulf %add3A_223, %exp3A_193 : vector<16xf32>
          %add3A_225 = arith.constant 0.999998331 : f32
          %add3A_226 = vector.broadcast %add3A_225 : f32 to vector<16xf32>
          %add3A_227 = arith.addf %mul3A_224, %add3A_226 : vector<16xf32>
          %mul3A_228 = arith.mulf %add3A_227, %exp3A_193 : vector<16xf32>
          %add3A_229 = arith.constant 1.47702934E-8 : f32
          %add3A_230 = vector.broadcast %add3A_229 : f32 to vector<16xf32>
          %add3A_231 = arith.addf %mul3A_228, %add3A_230 : vector<16xf32>
          %max3A = arith.constant 0.000000e+00 : f32
          %max3A_232 = vector.broadcast %max3A : f32 to vector<16xf32>
          %max3A_233 = arith.maximumf %sub3A_162, %max3A_232 : vector<16xf32>
          %sub3A_234 = arith.subf %max3A_233, %select_n3A_190 : vector<16xf32>
          %add3A_235 = arith.addf %sub3A_234, %add3A_231 : vector<16xf32>
          %add3A_236 = arith.addf %scan3A_151, %select_n3A_187 : vector<16xf32>
          %mul3A_237 = arith.mulf %select_n3A_187, %add3A_235 : vector<16xf32>
          %add3A_238 = arith.addf %scan3A_152, %mul3A_237 : vector<16xf32>
          scf.yield %add3A_236, %add3A_238 : vector<16xf32>, vector<16xf32>
        }
        %scan3A_149 = arith.constant 128 : i32
        scf.yield %scan3A_148#0, %scan3A_148#1 : vector<16xf32>, vector<16xf32>
      }
      %dma_wait3A = arith.constant 2048 : i32
      %dma_wait3A_72 = tpu.memref_slice %arg8[%dma_wait3A] : memref<4096xi32, #tpu.memory_space<vmem>> -> memref<2048xi32, #tpu.memory_space<vmem>>
      %dma_wait3A_73 = arith.constant 0 : i32
      %dma_wait3A_74 = tpu.memref_slice %arg2[%dma_wait3A_73] : memref<2097152xf32, #tpu.memory_space<hbm>> -> memref<2097152xf32, #tpu.memory_space<hbm>>
      tpu.wait_indirect_dma semaphore(%arg15 : memref<!tpu.dma_semaphore, #tpu.memory_space<semaphore_mem>>) src(%dma_wait3A_74 : memref<2097152xf32, #tpu.memory_space<hbm>>) dst(%arg9 : memref<2048xf32, #tpu.memory_space<vmem>>)
      %dma_wait3A_75 = arith.constant 2048 : i32
      %dma_wait3A_76 = tpu.memref_slice %arg8[%dma_wait3A_75] : memref<4096xi32, #tpu.memory_space<vmem>> -> memref<2048xi32, #tpu.memory_space<vmem>>
      %dma_wait3A_77 = arith.constant 0 : i32
      %dma_wait3A_78 = tpu.memref_slice %arg3[%dma_wait3A_77] : memref<2097152xi32, #tpu.memory_space<hbm>> -> memref<2097152xi32, #tpu.memory_space<hbm>>
      tpu.wait_indirect_dma semaphore(%arg15 : memref<!tpu.dma_semaphore, #tpu.memory_space<semaphore_mem>>) src(%dma_wait3A_78 : memref<2097152xi32, #tpu.memory_space<hbm>>) dst(%arg10 : memref<2048xi32, #tpu.memory_space<vmem>>)
      %scan3A_79 = arith.constant 0 : i32
      %scan3A_80 = arith.constant 128 : i32
      %scan3A_81 = arith.addi %scan3A_79, %scan3A_80 : i32
      %scan3A_82 = arith.constant 1 : i32
      %scan3A_83:2 = scf.for %scan3A_85 = %scan3A_79 to %scan3A_81 step %scan3A_82 iter_args(%scan3A_86 = %while3A_71#0, %scan3A_87 = %while3A_71#1) -> (vector<16xf32>, vector<16xf32>)  : i32 {
        %mul3A_88 = arith.constant 16 : i32
        %mul3A_89 = arith.muli %scan3A_85, %mul3A_88 : i32
        %multiple_of3A_90 = tpu.assume_multiple %mul3A_89, 16 : i32
        %get3A = arith.index_cast %multiple_of3A_90 : i32 to index
        %get3A_91 = tpu.vector_load %arg8[%get3A] {strides = array<i32>} : memref<4096xi32, #tpu.memory_space<vmem>>, vector<16xi32>,
        %gather3A = tpu.vector_load_idx %arg6[%get3A_91] : memref<32768xf32, #tpu.memory_space<vmem>>[vector<16xi32>], vector<16xf32>,
        %gather3A_92 = tpu.vector_load_idx %arg7[%get3A_91] : memref<32768xi32, #tpu.memory_space<vmem>>[vector<16xi32>], vector<16xi32>,
        %get3A_93 = arith.index_cast %multiple_of3A_90 : i32 to index
        %get3A_94 = tpu.vector_load %arg9[%get3A_93] {strides = array<i32>} : memref<2048xf32, #tpu.memory_space<vmem>>, vector<16xf32>,
        %get3A_95 = arith.index_cast %multiple_of3A_90 : i32 to index
        %get3A_96 = tpu.vector_load %arg10[%get3A_95] {strides = array<i32>} : memref<2048xi32, #tpu.memory_space<vmem>>, vector<16xi32>,
        %sub3A_97 = arith.subf %gather3A, %get3A_94 : vector<16xf32>
        %shift_right_arithmetic3A = arith.constant 11 : i32
        %shift_right_arithmetic3A_98 = vector.broadcast %shift_right_arithmetic3A : i32 to vector<16xi32>
        %shift_right_arithmetic3A_99 = arith.shrsi %gather3A_92, %shift_right_arithmetic3A_98 : vector<16xi32>
        %shift_right_arithmetic3A_100 = arith.constant 11 : i32
        %shift_right_arithmetic3A_101 = vector.broadcast %shift_right_arithmetic3A_100 : i32 to vector<16xi32>
        %shift_right_arithmetic3A_102 = arith.shrsi %get3A_96, %shift_right_arithmetic3A_101 : vector<16xi32>
        %and3A_103 = arith.constant 2047 : i32
        %and3A_104 = vector.broadcast %and3A_103 : i32 to vector<16xi32>
        %and3A_105 = arith.andi %gather3A_92, %and3A_104 : vector<16xi32>
        %and3A_106 = arith.constant 2047 : i32
        %and3A_107 = vector.broadcast %and3A_106 : i32 to vector<16xi32>
        %and3A_108 = arith.andi %get3A_96, %and3A_107 : vector<16xi32>
        %add3A_109 = arith.addi %and3A_105, %and3A_108 : vector<16xi32>
        %convert_element_type3A = arith.sitofp %add3A_109 : vector<16xi32> to vector<16xf32>
        %mul3A_110 = arith.constant 4.88519785E-4 : f32
        %mul3A_111 = vector.broadcast %mul3A_110 : f32 to vector<16xf32>
        %mul3A_112 = arith.mulf %convert_element_type3A, %mul3A_111 : vector<16xf32>
        %exp3A = math.exp %mul3A_112 : vector<16xf32>
        %add3A_113 = arith.constant 1.000000e+00 : f32
        %add3A_114 = vector.broadcast %add3A_113 : f32 to vector<16xf32>
        %add3A_115 = arith.addf %add3A_114, %exp3A : vector<16xf32>
        %div3A_116 = arith.constant 1.000000e+00 : f32
        %div3A_117 = vector.broadcast %div3A_116 : f32 to vector<16xf32>
        %div3A_118 = arith.divf %div3A_117, %add3A_115 : vector<16xf32>
        %ne3A_119 = arith.cmpi ne, %shift_right_arithmetic3A_99, %shift_right_arithmetic3A_102 : vector<16xi32>
        %jit3A_120 = arith.constant 0.000000e+00 : f32
        %broadcast_in_dim3A_121 = vector.broadcast %jit3A_120 : f32 to vector<16xf32>
        %select_n3A_122 = arith.select %ne3A_119, %div3A_118, %broadcast_in_dim3A_121 : vector<16xi1>, vector<16xf32>
        %gt3A = arith.cmpi sgt, %shift_right_arithmetic3A_99, %shift_right_arithmetic3A_102 : vector<16xi32>
        %jit3A_123 = arith.constant 0.000000e+00 : f32
        %broadcast_in_dim3A_124 = vector.broadcast %jit3A_123 : f32 to vector<16xf32>
        %select_n3A_125 = arith.select %gt3A, %sub3A_97, %broadcast_in_dim3A_124 : vector<16xi1>, vector<16xf32>
        %abs3A = math.absf %sub3A_97 : vector<16xf32>
        %neg3A = arith.constant 0.000000e+00 : f32
        %neg3A_126 = vector.broadcast %neg3A : f32 to vector<16xf32>
        %neg3A_127 = arith.subf %neg3A_126, %abs3A : vector<16xf32>
        %exp3A_128 = math.exp %neg3A_127 : vector<16xf32>
        %broadcast_in_dim3A_129 = arith.constant 0.00370507035 : f32
        %broadcast_in_dim3A_130 = vector.broadcast %broadcast_in_dim3A_129 : f32 to vector<16xf32>
        %mul3A_131 = arith.mulf %broadcast_in_dim3A_130, %exp3A_128 : vector<16xf32>
        %add3A_132 = arith.constant -0.0227476936 : f32
        %add3A_133 = vector.broadcast %add3A_132 : f32 to vector<16xf32>
        %add3A_134 = arith.addf %mul3A_131, %add3A_133 : vector<16xf32>
        %mul3A_135 = arith.mulf %add3A_134, %exp3A_128 : vector<16xf32>
        %add3A_136 = arith.constant 0.065802522 : f32
        %add3A_137 = vector.broadcast %add3A_136 : f32 to vector<16xf32>
        %add3A_138 = arith.addf %mul3A_135, %add3A_137 : vector<16xf32>
        %mul3A_139 = arith.mulf %add3A_138, %exp3A_128 : vector<16xf32>
        %add3A_140 = arith.constant -0.12435104 : f32
        %add3A_141 = vector.broadcast %add3A_140 : f32 to vector<16xf32>
        %add3A_142 = arith.addf %mul3A_139, %add3A_141 : vector<16xf32>
        %mul3A_143 = arith.mulf %add3A_142, %exp3A_128 : vector<16xf32>
        %add3A_144 = arith.constant 0.18400532 : f32
        %add3A_145 = vector.broadcast %add3A_144 : f32 to vector<16xf32>
        %add3A_146 = arith.addf %mul3A_143, %add3A_145 : vector<16xf32>
        %mul3A_147 = arith.mulf %add3A_146, %exp3A_128 : vector<16xf32>
        %add3A_148 = arith.constant -0.246055305 : f32
        %add3A_149 = vector.broadcast %add3A_148 : f32 to vector<16xf32>
        %add3A_150 = arith.addf %mul3A_147, %add3A_149 : vector<16xf32>
        %mul3A_151 = arith.mulf %add3A_150, %exp3A_128 : vector<16xf32>
        %add3A_152 = arith.constant 3.327420e-01 : f32
        %add3A_153 = vector.broadcast %add3A_152 : f32 to vector<16xf32>
        %add3A_154 = arith.addf %mul3A_151, %add3A_153 : vector<16xf32>
        %mul3A_155 = arith.mulf %add3A_154, %exp3A_128 : vector<16xf32>
        %add3A_156 = arith.constant -4.999520e-01 : f32
        %add3A_157 = vector.broadcast %add3A_156 : f32 to vector<16xf32>
        %add3A_158 = arith.addf %mul3A_155, %add3A_157 : vector<16xf32>
        %mul3A_159 = arith.mulf %add3A_158, %exp3A_128 : vector<16xf32>
        %add3A_160 = arith.constant 0.999998331 : f32
        %add3A_161 = vector.broadcast %add3A_160 : f32 to vector<16xf32>
        %add3A_162 = arith.addf %mul3A_159, %add3A_161 : vector<16xf32>
        %mul3A_163 = arith.mulf %add3A_162, %exp3A_128 : vector<16xf32>
        %add3A_164 = arith.constant 1.47702934E-8 : f32
        %add3A_165 = vector.broadcast %add3A_164 : f32 to vector<16xf32>
        %add3A_166 = arith.addf %mul3A_163, %add3A_165 : vector<16xf32>
        %max3A = arith.constant 0.000000e+00 : f32
        %max3A_167 = vector.broadcast %max3A : f32 to vector<16xf32>
        %max3A_168 = arith.maximumf %sub3A_97, %max3A_167 : vector<16xf32>
        %sub3A_169 = arith.subf %max3A_168, %select_n3A_125 : vector<16xf32>
        %add3A_170 = arith.addf %sub3A_169, %add3A_166 : vector<16xf32>
        %add3A_171 = arith.addf %scan3A_86, %select_n3A_122 : vector<16xf32>
        %mul3A_172 = arith.mulf %select_n3A_122, %add3A_170 : vector<16xf32>
        %add3A_173 = arith.addf %scan3A_87, %mul3A_172 : vector<16xf32>
        scf.yield %add3A_171, %add3A_173 : vector<16xf32>, vector<16xf32>
      }
      %scan3A_84 = arith.constant 128 : i32
      scf.yield %scan3A_83#0, %scan3A_83#1 : vector<16xf32>, vector<16xf32>
    }
    %scan3A_31 = arith.constant 4 : i32
    %swap3A = arith.constant 0 : i32
    %swap3A_32 = arith.index_cast %swap3A : i32 to index
    %swap3A_33 = arith.constant 0 : index
    %swap3A_34 = tpu.vector_load %arg14[%swap3A_32, %swap3A_33] {strides = array<i32>} : memref<2x16xf32, #tpu.memory_space<vmem>>, vector<16xf32>,
    tpu.vector_store %arg14[%swap3A_32, %swap3A_33], %scan3A_30#0 {strides = array<i32>} : memref<2x16xf32, #tpu.memory_space<vmem>>, vector<16xf32>,
    %swap3A_35 = arith.constant 1 : i32
    %swap3A_36 = arith.index_cast %swap3A_35 : i32 to index
    %swap3A_37 = arith.constant 0 : index
    %swap3A_38 = tpu.vector_load %arg14[%swap3A_36, %swap3A_37] {strides = array<i32>} : memref<2x16xf32, #tpu.memory_space<vmem>>, vector<16xf32>,
    tpu.vector_store %arg14[%swap3A_36, %swap3A_37], %scan3A_30#1 {strides = array<i32>} : memref<2x16xf32, #tpu.memory_space<vmem>>, vector<16xf32>,
    "tpu.region"() ({
      %run_scoped3A = tpu.sem_alloc : memref<!tpu.dma_semaphore, #tpu.memory_space<semaphore_mem>>
      %dma_start3A = arith.constant 0 : i32
      %dma_start3A_39 = arith.constant 0 : i32
      %dma_start3A_40 = tpu.memref_slice %arg5[%add3A, %dma_start3A, %dma_start3A_39] : memref<32x2x16xf32, #tpu.memory_space<hbm>> -> memref<1x2x16xf32, #tpu.memory_space<hbm>>
      %dma_start3A_41 = tpu.memref_squeeze %dma_start3A_40 : memref<1x2x16xf32, #tpu.memory_space<hbm>> -> memref<2x16xf32, #tpu.memory_space<hbm>>
      %dma_start3A_42 = arith.constant 0 : i32
      %dma_start3A_43 = arith.constant 0 : i32
      %dma_start3A_44 = tpu.memref_slice %arg5[%add3A, %dma_start3A_42, %dma_start3A_43] : memref<32x2x16xf32, #tpu.memory_space<hbm>> -> memref<1x2x16xf32, #tpu.memory_space<hbm>>
      %dma_start3A_45 = tpu.memref_squeeze %dma_start3A_44 : memref<1x2x16xf32, #tpu.memory_space<hbm>> -> memref<2x16xf32, #tpu.memory_space<hbm>>
      tpu.enqueue_dma source(%arg14 : memref<2x16xf32, #tpu.memory_space<vmem>>) target(%dma_start3A_45 : memref<2x16xf32, #tpu.memory_space<hbm>>) target_semaphore(%run_scoped3A : memref<!tpu.dma_semaphore, #tpu.memory_space<semaphore_mem>>)
      %dma_wait3A = arith.constant 0 : i32
      %dma_wait3A_46 = arith.constant 0 : i32
      %dma_wait3A_47 = tpu.memref_slice %arg5[%add3A, %dma_wait3A, %dma_wait3A_46] : memref<32x2x16xf32, #tpu.memory_space<hbm>> -> memref<1x2x16xf32, #tpu.memory_space<hbm>>
      %dma_wait3A_48 = tpu.memref_squeeze %dma_wait3A_47 : memref<1x2x16xf32, #tpu.memory_space<hbm>> -> memref<2x16xf32, #tpu.memory_space<hbm>>
      %dma_wait3A_49 = arith.constant 0 : i32
      %dma_wait3A_50 = arith.constant 0 : i32
      %dma_wait3A_51 = tpu.memref_slice %arg5[%add3A, %dma_wait3A_49, %dma_wait3A_50] : memref<32x2x16xf32, #tpu.memory_space<hbm>> -> memref<1x2x16xf32, #tpu.memory_space<hbm>>
      %dma_wait3A_52 = tpu.memref_squeeze %dma_wait3A_51 : memref<1x2x16xf32, #tpu.memory_space<hbm>> -> memref<2x16xf32, #tpu.memory_space<hbm>>
      tpu.wait_dma2 semaphore(%run_scoped3A : memref<!tpu.dma_semaphore, #tpu.memory_space<semaphore_mem>>) src(%arg14 : memref<2x16xf32, #tpu.memory_space<vmem>>) dst(%dma_wait3A_52 : memref<2x16xf32, #tpu.memory_space<hbm>>)
      tpu.yield
    }) : () -> ()
    return
  }
}

</mosaic_0001>

<sc_bundles>
// kernel: kernel.3.cloned.1.call-start
scs
__scs_entry_jumppad:
0x0: {  	(pc) =	sbr.rel $0x88, $3  }
0x1: {  	(tag) =	ssettag $0x0;
	lr =	simm.s32 $0x1  }
0x2: {  	[smem:$0x3F9E] =	sst lr;
	_ =	strace $0xD0000000  }
0x3: {  	_ = 	snop  }
0x4: {  	_ = 	snop  }
0x5: {  	_ = 	snop  }
0x6: {  	_ = 	snop  }
0x7: {  	_ = 	snop  }
__scs_overlays_trampoline_lowered:
0x8: {  	[smem:$0x3FAD] =	sst s0  }
0x9: {  	[smem:$0x3FAE] =	sst s1  }
0xa: {  	[smem:$0x3FAF] =	sst s2  }
0xb: {  	[smem:$0x3FB0] =	sst s3  }
0xc: {  	[smem:$0x3FB1] =	sst s4  }
0xd: {  	[smem:$0x3FB2] =	sst s5  }
0xe: {  	[smem:$0x3FB3] =	sst s6  }
0xf: {  	[smem:$0x3FB4] =	sst s7  }
0x10: {  	[smem:$0x3FB5] =	sst s8  }
0x11: {  	[smem:$0x3FB6] =	sst s9;
	s0 =	simm.s32 @!p0 $0x0  }
0x12: {  	s1 =	sld [smem:$0x3F9C];
	s0 =	simm.s32 @p0 $0x1  }
0x13: {  	[smem:$0x3FB7] =	sst s0;
	s0 =	simm.s32 @!p1 $0x0  }
0x14: {  	s2 =	sld [smem:$0x3F9B];
	s0 =	simm.s32 @p1 $0x1  }
0x15: {  	[smem:$0x3FB8] =	sst s0;
	s0 =	simm.s32 @!p2 $0x0  }
0x16: {  	s3 =	sld [smem:$0x3FDB];
	s0 =	simm.s32 @p2 $0x1  }
0x17: {  	s4 =	simm.s32 $0x1BF5;
	[smem:$0x3FBA] =	sst s0  }
0x18: {  	s0 =	sld [smem:$0x3F9D];
	_ =	swait.ge [sflag:s4], $0x0  }
0x19: {  	s7 =	sld [smem:$0x3F9E]  }
0x1a: {  	s8 =	sadd.s32 $0xFFFFE003, lr  }
0x1b: {  	s9 =	sadd.s32 $0xFFFFFEF7, lr;
	s5 =	simm.s32 $0xFFFFFFFF;
	p2 =	slt.u32 s8, $0xFFFFF086  }
0x1c: {  	p1 =	slt.u32 s9, $0xF7A;
	s5 =	simm.s32 @!p2 $0x0  }
0x1d: {  	s5 =	simm.s32 @p1 $0x1;
	p0 =	seq.s32 s7, s2  }
0x1e: {  	s7 =	smul.u32 @!p0 $0xF7A, s2;
	p2 =	seq.s32 @!p0 s5, $0x0  }
0x1f: {  	s9 =	smul.u32 $0xF7A, s1;
	s8 =	simm.s32 @!p0 $0x1BF5;
	p2 =	por !p2, p0  }
0x20: {  	[sflag:s8] =	ssyncset.s32 @!p0 $0xFFFFF086;
	s6 =	sadd.s32 @!p0 s3, s7;
	s7 =	simm.s32 @!p0 $0x108  }
0x21: {  	s3 =	sadd.s32 s3, s9;
	s6 =	sadd.s32 @!p0 $0x88, s6;
	s7 =	simm.s32 @p2 $0x1082  }
0x22: {  	[simem:s7], [sflag:s8] =	dma.local @!p0 [hbm:s6], $0xF7A  }
0x23: {  	s9 =	sor.u32 $0xD0000000, s2;
	s6 =	simm.s32 $0x108;
	_ =	swait.ge @!p0 [sflag:s8], $0x0  }
0x24: {  	s3 =	sadd.s32 $0x88, s3;
	s6 =	simm.s32 @!p1 $0x1082;
	[sflag:s4] =	ssyncset.s32 $0xFFFFF086  }
0x25: {  	[simem:s6], [sflag:s4] =	dma.local [hbm:s3], $0xF7A  }
0x26: {  	[smem:$0x3F9E] =	sst s1;
	(tag) =	ssettag s2;
	_ =	strace s9  }
0x27: {  	s1 =	sld [smem:$0x3FAE]  }
0x28: {  	s2 =	sld [smem:$0x3FAF]  }
0x29: {  	s4 =	sld [smem:$0x3FB1]  }
0x2a: {  	p0 =	seq.s32 s5, $0x0;
	s5 =	sld [smem:$0x3FB2]  }
0x2b: {  	s6 =	sld [smem:$0x3FB3]  }
0x2c: {  	s7 =	sld [smem:$0x3FB4]  }
0x2d: {  	s3 =	simm.s32 $0x108;
	s8 =	sld [smem:$0x3FB5]  }
0x2e: {  	s3 =	simm.s32 @!p0 $0x1082;
	s9 =	sld [smem:$0x3FB6]  }
0x2f: {  	lr =	sadd.s32 s0, s3;
	s0 =	sld [smem:$0x3FAD]  }
0x30: {  	s3 =	sld [smem:$0x3FB0]  }
0x31: {  	[smem:$0x3FB9] =	sst s10  }
0x32: {  	s10 =	sld [smem:$0x3FB7];
	_ =	sdelay $0x3  }
0x33: {  	p0 =	seq.s32 s10, $0x1;
	s10 =	sld [smem:$0x3FB9];
	_ =	sdelay $0x3  }
0x34: {  	[smem:$0x3FB9] =	sst s10  }
0x35: {  	s10 =	sld [smem:$0x3FB8];
	_ =	sdelay $0x3  }
0x36: {  	p1 =	seq.s32 s10, $0x1;
	s10 =	sld [smem:$0x3FB9];
	_ =	sdelay $0x3  }
0x37: {  	[smem:$0x3FB9] =	sst s10  }
0x38: {  	s10 =	sld [smem:$0x3FBA]  }
0x39: {  	_ = 	snop;
	(pc) =	sbr.ind lr, $3  }
0x3a: {  	_ = 	snop  }
0x3b: {  	_ = 	snop  }
0x3c: {  	p2 =	seq.s32 s10, $0x1;
	s10 =	sld [smem:$0x3FB9]  }
0x3d: {  	_ =	shalt  }
0x3e: {  	_ =	shalt  }
0x3f: {  	_ =	shalt  }
0x40: {  	_ =	shalt  }
0x41: {  	_ =	shalt  }
0x42: {  	_ =	shalt  }
0x43: {  	_ =	shalt  }
0x44: {  	_ =	shalt  }
0x45: {  	_ =	shalt  }
0x46: {  	_ =	shalt  }
0x47: {  	_ =	shalt  }
0x48: {  	_ =	shalt  }
0x49: {  	_ =	shalt  }
0x4a: {  	_ =	shalt  }
0x4b: {  	_ =	shalt  }
0x4c: {  	_ =	shalt  }
0x4d: {  	_ =	shalt  }
0x4e: {  	_ =	shalt  }
0x4f: {  	_ =	shalt  }
0x50: {  	_ =	shalt  }
0x51: {  	_ =	shalt  }
0x52: {  	_ =	shalt  }
0x53: {  	_ =	shalt  }
0x54: {  	_ =	shalt  }
0x55: {  	_ =	shalt  }
0x56: {  	_ =	shalt  }
0x57: {  	_ =	shalt  }
0x58: {  	_ =	shalt  }
0x59: {  	_ =	shalt  }
0x5a: {  	_ =	shalt  }
0x5b: {  	_ =	shalt  }
0x5c: {  	_ =	shalt  }
0x5d: {  	_ =	shalt  }
0x5e: {  	_ =	shalt  }
0x5f: {  	_ =	shalt  }
0x60: {  	_ =	shalt  }
0x61: {  	_ =	shalt  }
0x62: {  	_ =	shalt  }
0x63: {  	_ =	shalt  }
0x64: {  	_ =	shalt  }
0x65: {  	_ =	shalt  }
0x66: {  	_ =	shalt  }
0x67: {  	_ =	shalt  }
0x68: {  	_ =	shalt  }
0x69: {  	_ =	shalt  }
0x6a: {  	_ =	shalt  }
0x6b: {  	_ =	shalt  }
0x6c: {  	_ =	shalt  }
0x6d: {  	_ =	shalt  }
0x6e: {  	_ =	shalt  }
0x6f: {  	_ =	shalt  }
0x70: {  	_ =	shalt  }
0x71: {  	_ =	shalt  }
0x72: {  	_ =	shalt  }
0x73: {  	_ =	shalt  }
0x74: {  	_ =	shalt  }
0x75: {  	_ =	shalt  }
0x76: {  	_ =	shalt  }
0x77: {  	_ =	shalt  }
0x78: {  	_ =	shalt  }
0x79: {  	_ =	shalt  }
0x7a: {  	_ =	shalt  }
0x7b: {  	_ =	shalt  }
0x7c: {  	_ =	shalt  }
0x7d: {  	_ =	shalt  }
0x7e: {  	_ =	shalt  }
0x7f: {  	_ =	shalt  }
0x80: {  	_ =	shalt  }
0x81: {  	_ =	shalt  }
0x82: {  	_ =	shalt  }
0x83: {  	_ =	shalt  }
0x84: {  	_ =	shalt  }
0x85: {  	_ =	shalt  }
0x86: {  	_ =	shalt  }
0x87: {  	_ =	shalt  }
.Lfunc_end0:
.L_simem_size_0:
called_computation_lowered:
.L_overlay_start_0:
0x88: {  	s2 =	sld [smem:$0x3FD9]  }
0x89: {  	s3 =	sld [smem:$0x3FFE];
	_ =	sdelay $0x1  }
0x8a: {  	s1 =	srdreg.scid  }
0x8b: {  	s0 =	sand.u32 $0x1, s1  }
0x8c: {  	s16 =	sshll.u32 s0, $0xA;
	s2 =	sadd.s32 s3, s2  }
0x8d: {  	s2 =	sadd.s32 s2, s16  }
0x8e: {  	[smem:$0x3FC5] =	sst s2  }
0x8f: {  	_ = 	snop  }
0x90: {  	(tm) =	ssettm $0x1  }
0x91: {  	s17 =	sld [smem:$0x3FFB];
	_ =	sdelay $0x3  }
0x92: {  	_ =	strace s17  }
0x93: {  	s2 =	sld [smem:$0x3FFC];
	_ =	sdelay $0x3  }
0x94: {  	_ =	strace s2  }
0x95: {  	s2 =	sld [smem:$0x3FFD];
	_ =	sdelay $0x3  }
0x96: {  	_ =	strace s2  }
0x97: {  	_ =	strace $0x8FFFFFFF  }
0x98: {  	s18 =	sld [smem:$0x3FDB];
	_ =	sdelay $0x1  }
0x99: {  	s19 =	simm.s32 $_scs_section_size  }
0x9a: {  	s4 =	simm.s32 $_size__tile_overlayer_lowered;
	s5 =	simm.s32 $_tile_overlayer_lowered  }
0x9b: {  	s22 =	simm.s32 $0x1BFF;
	s21 =	sshll.u32 s5, $0x1;
	s2 =	sadd.s32 s19, s18  }
0x9c: {  	s6 =	simm.s32 $0x0;
	s20 =	sshll.u32 s4, $0x1;
	s4 =	sadd.s32 s21, s2  }
0x9d: {  	[timem:s6], [sflag:s22] =	dma.local [hbm:s4], s20  }
0x9e: {  	_ =	swait.ge [sflag:s22], s20  }
0x9f: {  	s3 =	ssub.s32 $0x0, s20;
	[sflag:s22] =	ssyncset.done $0x0  }
0xa0: {  	[sflag:s22] =	ssyncadd.s32 s3;
	_ =	sdelay $0x1  }
0xa1: {  	s23 =	simm.s32 $0x1B8B  }
0xa2: {  	_ =	swait.ge [sflag:s23], $0x1  }
0xa3: {  	[sflag:s23] =	ssyncset.done $0x0  }
0xa4: {  	s25 =	simm.s32 $0x1B8E;
	s24 =	sld [smem:$0x3FFE];
	[sflag:s23] =	ssyncadd.s32 $0xFFFFFFFF  }
0xa5: {  	s26 =	simm.s32 $execute0_lowered;
	[smem:$0x3FD2] =	sst s25  }
0xa6: {  	s4 =	sshll.u32 s26, $0x1;
	_ =	strace $0x80000046;
	[dreg:$0x1] =	wrdreg $0xFFFFFFFF  }
0xa7: {  	s28 =	simm.s32 $_size_execute0_lowered;
	s2 =	sadd.s32 s2, s4;
	[dreg:$0x0] =	wrdreg $0x0  }
0xa8: {  	s4 =	sshll.u32 s28, $0x1;
	[dreg:$0x2] =	wrdreg s2  }
0xa9: {  	[dreg:$0x3] =	wrdreg s4  }
0xaa: {  	[dreg:$0x4] =	wrdreg $0xC0  }
0xab: {  	_ =	task [dreg:s6], $0x5FFFF  }
0xac: {  	[dreg:$0x1] =	wrdreg $0xFFFFFFFF  }
0xad: {  	[dreg:$0x0] =	wrdreg $0x60  }
0xae: {  	[dreg:$0x2] =	wrdreg s24  }
0xaf: {  	[dreg:$0x3] =	wrdreg $0x9  }
0xb0: {  	_ =	task.clear_ibuf [dreg:s6], $0x4FFFF;
	_ =	strace $0x90000046  }
0xb1: {  	s29 =	simm.s32 $0x9;
	_ =	strace $0x80000048  }
0xb2: {  	_ =	swait.ge [sflag:s29], $0x1  }
0xb3: {  	[sflag:s29] =	ssyncadd.s32 $0xFFFFFFFF  }
0xb4: {  	_ =	strace $0x90000048  }
0xb5: {  	_ =	sfence  }
0xb6: {  	s30 =	sld [smem:$0x0];
	_ =	sdelay $0x2  }
0xb7: {  	s31 =	sshll.u32 s1, $0xD;
	s1 =	sshrl.u32 s1, $0x2  }
0xb8: {  	s3 =	sand.u32 $0x4000, s31;
	s1 =	sadd.s32 s1, s30  }
0xb9: {  	s0 =	sor.u32 s3, s0;
	s1 =	sshll.u32 s1, $0x11  }
0xba: {  	s0 =	sor.u32 s1, s0  }
0xbb: {  	s0 =	sadd.s32 $0x8F2B, s0  }
0xbc: {  	[sflag:s0] =	ssyncadd.remote.s32 $0x1  }
0xbd: {  	_ =	sfence.sel $0xFFFF  }
0xbe: {  	[dreg:$0x0] =	wrdreg $0xFFFFFFFF;
	(pc) =	sbr.abs _section_cstart, $3  }
0xbf: {  	[dreg:$0x1] =	wrdreg $0xFFFFFFFF  }
0xc0: {  	_ =	task.clear_ibuf [dreg:s6], $0x2FFFF;
	_ =	strace $0x9FFFFFFF  }
0xc1: {  	(tm) =	ssettm $0x7FFFFFFF  }
tec
execute0_lowered:
.L_overlay_start_1:
0x0: {  	(tag) =	ssettag $0x1  }
0x1: {  	s0 =	rddreg [dreg:$0x0];
	s1 =	simm.s32 $0x0  }
0x2: {  	s2 =	srdreg.scid;
	s3 =	stileid.u32;
	s11 =	simm.s32 $0x8000  }
0x3: {  	s12 =	simm.s32 $0x10000;
	s13 =	simm.s32 $0x800;
	s14 =	simm.s32 $0x10800  }
0x4: {  	s15 =	simm.s32 $0x11000;
	s16 =	simm.s32 $0x11800;
	s17 =	simm.s32 $0x12000  }
0x5: {  	s18 =	simm.s32 $0x12800;
	s19 =	simm.s32 $0x13000;
	s20 =	simm.s32 $0x13800  }
0x6: {  	s21 =	simm.s32 $0x1;
	s22 =	simm.s32 $0x2;
	s24 =	simm.s32 $0x0  }
0x7: {  	[smem:$0x7FF] =	sst s1;
	s7 =	sand.u32 $0x1, s2;
	s2 =	sadd.s32 $0x7D200, s0  }
0x8: {  	s4 =	sadd.s32 $0x3D200, s0;
	s5 =	sadd.s32 $0xBD200, s0;
	s10 =	sshll.u32 s3, $0x6  }
0x9: {  	_ =	strace $0x80000047;
	s6 =	ssub.s32 $0x2, s7;
	s9 =	ssub.s32 $0x0, s7  }
0xa: {  	p0 =	seq.s32 s7, $0x0;
	s7 =	sshll.u32 s7, $0x5;
	s8 =	sshrl.u32 s6, $0x1  }
0xb: {  	s0 =	sadd.s32 s0, s7;
	s7 =	sand.u32 $0xA800, s9;
	s8 =	ssub.s32 s6, s8  }
0xc: {  	s6 =	simm.s32 $0xA;
	s0 =	sadd.s32 s10, s0;
	s10 =	simm.s32 $0x3  }
0xd: {  	s6 =	simm.s32 @!p0 $0x6;
	[dreg:$0x2] =	wrdreg s0;
	s9 =	smax.u32 s8, $0x1  }
.LBB2_1:
0xe: {  	v0 =	vimm.f32 $0.0e+00;
	v1 =	vimm.f32 $0.0e+00;
	s25 =	simm.s32 $0x0  }
.LBB2_2:
0xf: {  	s0 =	sshll.u32 s25, $0x4  }
0x10: {  	s0 =	sor.u32 s3, s0  }
0x11: {  	s8 =	sshll.u32 s0, $0xC  }
0x12: {  	s26 =	simm.s32 $0x0;
	s23 =	sadd.s32 s2, s8  }
0x13: {  	[tilespmem:s26], [sflag:$0x3] =	stream.linear.gather [hbm4b:s23+s26], $0x8000, $0x38;
	[tilespmem:$0x14100] =	vst v63  }
0x14: {  	_ =	swait.ge [sflag:s10], $0x8000  }
0x15: {  	[sflag:s10] =	ssyncset.done $0x0  }
0x16: {  	s0 =	smul.u32 $0x11000, s0;
	s8 =	sadd.s32 s4, s8;
	[sflag:s10] =	ssyncadd.s32 $0xFFFF8000  }
0x17: {  	[tilespmem:s11], [sflag:$0x3] =	stream.linear.gather [hbm4b:s8+s26], $0x8000, $0x38;
	[tilespmem:$0x14100] =	vst v63  }
0x18: {  	s0 =	sadd.s32 s7, s0;
	_ =	swait.ge [sflag:s10], $0x8000  }
0x19: {  	s31 =	sshrl.u32 s0, $0x2;
	[sflag:s10] =	ssyncset.done $0x0  }
0x1a: {  	s8 =	sadd.s32 s5, s31;
	[sflag:s10] =	ssyncadd.s32 $0xFFFF8000  }
0x1b: {  	[tilespmem:s12], [sflag:$0x3] =	stream.linear.gather [hbm4b:s8+s26], $0x1000, $0x38;
	[tilespmem:$0x14100] =	vst v63  }
0x1c: {  	_ =	swait.ge [sflag:s10], $0x1000  }
0x1d: {  	[sflag:s10] =	ssyncset.done $0x0  }
0x1e: {  	[sflag:s10] =	ssyncadd.s32 $0xFFFFF000  }
0x1f: {  	[tilespmem:s15], [sflag:$0x1] =	stream.indirect.gather [hbm4b:s2+s13], $0x1, s14, s13, $0xb8;
	[tilespmem:$0x14100] =	vst v63  }
0x20: {  	s30 =	simm.s32 $0x0;
	s28 =	sadd.s32 $0x800, s0;
	s29 =	sadd.s32 $0x1000, s0  }
0x21: {  	[tilespmem:s16], [sflag:$0x1] =	stream.indirect.gather [hbm4b:s4+s13], $0x1, s14, s13, $0xb8;
	[tilespmem:$0x14100] =	vst v63  }
.LBB2_3:
0x22: {  	s31 =	sshll.u32 s30, $0xC  }
0x23: {  	s0 =	sadd.s32 s31, s28  }
0x24: {  	s0 =	sshrl.u32 s0, $0x2  }
0x25: {  	s0 =	sadd.s32 s5, s0  }
0x26: {  	[tilespmem:s17], [sflag:$0x3] =	stream.linear.gather [hbm4b:s0+s26], $0x1000, $0x38;
	[tilespmem:$0x14100] =	vst v63  }
0x27: {  	_ =	swait.ge [sflag:s10], $0x1000  }
0x28: {  	[sflag:s10] =	ssyncset.done $0x0  }
0x29: {  	[sflag:s10] =	ssyncadd.s32 $0xFFFFF000  }
0x2a: {  	[tilespmem:s19], [sflag:$0x2] =	stream.indirect.gather [hbm4b:s2+s13], $0x1, s18, s13, $0xb8;
	[tilespmem:$0x14100] =	vst v63  }
0x2b: {  	_ = 	snop  }
0x2c: {  	[tilespmem:s20], [sflag:$0x2] =	stream.indirect.gather [hbm4b:s4+s13], $0x1, s18, s13, $0xb8;
	[tilespmem:$0x14100] =	vst v63  }
0x2d: {  	_ =	swait.ge [sflag:s21], $0x800  }
0x2e: {  	[sflag:s21] =	ssyncset.done $0x0  }
0x2f: {  	[sflag:s21] =	ssyncadd.s32 $0xFFFFF800  }
0x30: {  	_ =	swait.ge [sflag:s21], $0x800  }
0x31: {  	[sflag:s21] =	ssyncset.done $0x0  }
0x32: {  	s23 =	simm.s32 $0x0;
	[sflag:s21] =	ssyncadd.s32 $0xFFFFF800  }
0x33: {  	v4 =	vld [tilespmem:s23+$0x10000];
	_ =	sdelay $0x6  }
0x34: {  	v2 =	vld [tilespmem:s23+$0x11000]  }
0x35: {  	v3 =	vld.idx.msk [tilespmem:v4+s1+$0x0], $0xffff;
	_ =	sdelay $0x4  }
0x36: {  	v3 =	vsub.f32 v3, v2  }
0x37: {  	s8 =	simm.s32 $0x10  }
0x38: {  	v5 =	vld [tilespmem:s8+$0x10000];
	v2 =	vand.u32 $0x7FFFFFFF, v3  }
0x39: {  	v2 =	vsub.f32 $0.0e+00, v2;
	_ =	sdelay $0x1  }
0x3a: {  	v2 =	vmul.f32 $1.442695020e+00, v2;
	_ =	sdelay $0x1  }
0x3b: {  	(erf) = vpow2.f32 v2;
	_ =	sdelay $0x2  }
0x3c: {  	v6 =	vld.idx.msk [tilespmem:v5+s1+$0x0], $0xffff  }
0x3d: {  	v2 =	vld [tilespmem:s8+$0x11000];
	_ =	sdelay $0x4  }
0x3e: {  	v2 =	vsub.f32 v6, v2;
	v6 =	vpop (erf)  }
0x3f: {  	v8 =	vmul.f32 $3.705070350e-03, v6  }
0x40: {  	v12 =	vld [tilespmem:s23+$0x11800];
	v7 =	vand.u32 $0x7FFFFFFF, v2  }
0x41: {  	s23 =	simm.s32 $0x20;
	v14 =	vld.idx.msk [tilespmem:v4+s11+$0x0], $0xffff;
	v7 =	vsub.f32 $0.0e+00, v7;
	v4 =	vadd.f32 $-2.274769360e-02, v8  }
0x42: {  	v15 =	vld [tilespmem:s23+$0x10000]  }
0x43: {  	v7 =	vmul.f32 $1.442695020e+00, v7;
	v4 =	vmul.f32 v4, v6;
	_ =	sdelay $0x1  }
0x44: {  	(erf) = vpow2.f32 v7;
	v4 =	vadd.f32 $6.580252200e-02, v4  }
0x45: {  	v7 =	vand.u32 $0x7FF, v12;
	v8 =	vand.u32 $0x7FF, v14  }
0x46: {  	v7 =	vadd.s32 v8, v7;
	v4 =	vmul.f32 v4, v6  }
0x47: {  	v7 =	vcvt.s32.f32 v7  }
0x48: {  	v10 =	vld [tilespmem:s23+$0x11000];
	v4 =	vadd.f32 $-1.243510400e-01, v4  }
0x49: {  	v13 =	vld.idx.msk [tilespmem:v15+s1+$0x0], $0xffff;
	v7 =	vmul.f32 $4.885197850e-04, v7  }
0x4a: {  	v4 =	vmul.f32 v4, v6  }
0x4b: {  	v7 =	vmul.f32 $1.442695020e+00, v7  }
0x4c: {  	v4 =	vadd.f32 $1.840053200e-01, v4  }
0x4d: {  	s0 =	simm.s32 $0x30;
	v9 =	vld.idx.msk [tilespmem:v5+s11+$0x0], $0xffff;
	v5 =	vpop (erf);
	(erf) = vpow2.f32 v7  }
0x4e: {  	v11 =	vld [tilespmem:s0+$0x10000];
	v16 =	vmul.f32 v4, v6;
	v4 =	vsub.f32 v13, v10;
	_ =	sdelay $0x1  }
0x4f: {  	v7 =	vmul.f32 $3.705070350e-03, v5;
	v17 =	vand.u32 $0x7FFFFFFF, v4  }
0x50: {  	v8 =	vld [tilespmem:s8+$0x11800];
	v17 =	vsub.f32 $0.0e+00, v17  }
0x51: {  	v7 =	vadd.f32 $-2.274769360e-02, v7  }
0x52: {  	v10 =	vadd.f32 $-2.460553050e-01, v16;
	v17 =	vmul.f32 $1.442695020e+00, v17  }
0x53: {  	v7 =	vmul.f32 v7, v5  }
0x54: {  	v18 =	vmul.f32 v10, v6;
	(erf) = vpow2.f32 v17  }
0x55: {  	v20 =	vld.idx.msk [tilespmem:v11+s1+$0x0], $0xffff;
	v13 =	vand.u32 $0x7FF, v8;
	v16 =	vand.u32 $0x7FF, v9;
	v7 =	vadd.f32 $6.580252200e-02, v7;
	v19 =	vpop (erf)  }
0x56: {  	v13 =	vadd.s32 v16, v13;
	v16 =	vld [tilespmem:s0+$0x11000];
	v18 =	vadd.f32 $3.327420060e-01, v18;
	v17 =	vadd.f32 $1.000000000e+00, v19  }
0x57: {  	v10 =	vld [tilespmem:s23+$0x11800];
	v13 =	vcvt.s32.f32 v13;
	v7 =	vmul.f32 v7, v5  }
0x58: {  	v18 =	vmul.f32 v18, v6;
	(erf) = vrcp.f32 v17;
	v17 =	vld.idx.msk [tilespmem:v15+s11+$0x0], $0xffff  }
0x59: {  	v13 =	vmul.f32 $4.885197850e-04, v13;
	v7 =	vadd.f32 $-1.243510400e-01, v7  }
0x5a: {  	v22 =	vshra.s32 v14, $0xB;
	v18 =	vadd.f32 $-4.999519880e-01, v18  }
0x5b: {  	v19 =	vshra.s32 v12, $0xB;
	v13 =	vmul.f32 $1.442695020e+00, v13;
	v25 =	vmul.f32 v7, v5  }
0x5c: {  	s8 =	simm.s32 $0x140;
	s23 =	simm.s32 $0x40;
	v7 =	vsub.f32 v20, v16;
	v12 =	vand.u32 $0x7FF, v10;
	v24 =	vmul.f32 v18, v6  }
.LBB2_4:
0x5d: {  	p0 =	sne.s32 s8, $0x1FC0;
	v14 =	vld [tilespmem:s23+$0x10000];
	v15 =	vand.u32 $0x7FF, v17;
	v16 =	vpop (erf);
	v18 =	vadd.f32 $1.840053200e-01, v25;
	(erf) = vpow2.f32 v13  }
0x5e: {  	v23 =	vmovc v17;
	v13 =	vand.u32 $0x7FFFFFFF, v7;
	v20 =	vmul.f32 $3.705070350e-03, v16;
	v21 =	vadd.f32 $9.999983310e-01, v24  }
0x5f: {  	vm0 =	vgt.s32 v22, v19;
	v13 =	vsub.f32 $0.0e+00, v13;
	v17 =	vmul.f32 v18, v5  }
0x60: {  	v18 =	vadd.f32 $-2.274769360e-02, v20;
	v20 =	vnsel vm0, $0x0, v3;
	v21 =	vmul.f32 v21, v6;
	v6 =	vmovc v5;
	v5 =	vmovc v16  }
0x61: {  	v13 =	vmul.f32 $1.442695020e+00, v13;
	v16 =	vadd.f32 $-2.460553050e-01, v17;
	v17 =	vmax.f32 v3, $0.0e+00;
	v3 =	vmovc v2;
	v2 =	vmovc v4  }
0x62: {  	v4 =	vmovc v7;
	v18 =	vmul.f32 v18, v5;
	v21 =	vadd.f32 $1.477029340e-08, v21;
	v20 =	vsub.f32 v17, v20  }
0x63: {  	vm0 =	veq.s32 v22, v19;
	v7 =	vld [tilespmem:s0+$0x11800];
	(erf) = vpow2.f32 v13;
	v13 =	vmul.f32 v16, v6;
	s0 =	smov.u32 s23  }
0x64: {  	v12 =	vadd.s32 v15, v12;
	v16 =	vld [tilespmem:s0+$0x11000];
	v15 =	vadd.f32 $6.580252200e-02, v18;
	v18 =	vadd.f32 v21, v20;
	v17 =	vpop (erf)  }
0x65: {  	v12 =	vcvt.s32.f32 v12;
	v20 =	vld.idx.msk [tilespmem:v14+s1+$0x0], $0xffff;
	v13 =	vadd.f32 $3.327420060e-01, v13;
	v19 =	vsel vm0, $0x0, v17  }
0x66: {  	v17 =	vld.idx.msk [tilespmem:v11+s11+$0x0], $0xffff;
	v15 =	vmul.f32 v15, v5;
	v11 =	vpop (erf);
	v1 =	vadd.f32 v19, v1;
	v18 =	vmul.f32 v18, v19  }
.Ltmp0:
0x67: {  	v12 =	vmul.f32 $4.885197850e-04, v12;
	v21 =	vadd.f32 $1.000000000e+00, v11;
	v22 =	vmul.f32 v13, v6;
	v11 =	vmovc v14;
	(pc) =	sbr.rel @p0 .LBB2_4-.Ltmp0, $4  }
0x68: {  	v14 =	vadd.f32 $-1.243510400e-01, v15;
	v0 =	vadd.f32 v18, v0  }
0x69: {  	v19 =	vshra.s32 v8, $0xB;
	v8 =	vmovc v10;
	v13 =	vmul.f32 $1.442695020e+00, v12;
	v10 =	vmovc v7;
	v15 =	vadd.f32 $-4.999519880e-01, v22  }
0x6a: {  	v12 =	vand.u32 $0x7FF, v10;
	v25 =	vmul.f32 v14, v5;
	(erf) = vrcp.f32 v21  }
0x6b: {  	s23 =	sshra.s32 s8, $0x2;
	s8 =	sadd.s32 $0x40, s8;
	v22 =	vshra.s32 v9, $0xB;
	v9 =	vmovc v23;
	v7 =	vsub.f32 v20, v16;
	v24 =	vmul.f32 v15, v6  }
0x6c: {  	(erf) = vpow2.f32 v13;
	_ =	sdelay $0x3  }
0x6d: {  	v14 =	vld [tilespmem:s23+$0x10000]  }
0x6e: {  	v13 =	vand.u32 $0x7FF, v17  }
0x6f: {  	v15 =	vand.u32 $0x7FFFFFFF, v7;
	v12 =	vadd.s32 v13, v12  }
0x70: {  	v23 =	vpop (erf);
	v13 =	vsub.f32 $0.0e+00, v15;
	v12 =	vcvt.s32.f32 v12  }
0x71: {  	v26 =	vpop (erf)  }
0x72: {  	v13 =	vmul.f32 $1.442695020e+00, v13;
	v12 =	vmul.f32 $4.885197850e-04, v12;
	v15 =	vpop (erf)  }
0x73: {  	v16 =	vld [tilespmem:s0+$0x11800];
	v15 =	vadd.f32 $1.000000000e+00, v15  }
0x74: {  	(erf) = vpow2.f32 v13;
	v13 =	vld [tilespmem:s23+$0x11000];
	v12 =	vmul.f32 $1.442695020e+00, v12  }
0x75: {  	v20 =	vld.idx.msk [tilespmem:v14+s1+$0x0], $0xffff;
	(erf) = vrcp.f32 v15  }
0x76: {  	v18 =	vld.idx.msk [tilespmem:v11+s11+$0x0], $0xffff;
	(erf) = vpow2.f32 v12;
	_ =	sdelay $0x3  }
0x77: {  	v11 =	vsub.f32 v20, v13  }
0x78: {  	v12 =	vand.u32 $0x7FF, v16;
	v13 =	vand.u32 $0x7FF, v18  }
0x79: {  	v12 =	vadd.s32 v13, v12;
	v15 =	vand.u32 $0x7FFFFFFF, v11  }
0x7a: {  	v20 =	vpop (erf);
	v12 =	vcvt.s32.f32 v12;
	v13 =	vsub.f32 $0.0e+00, v15  }
0x7b: {  	v27 =	vpop (erf)  }
0x7c: {  	v12 =	vmul.f32 $4.885197850e-04, v12;
	v13 =	vmul.f32 $1.442695020e+00, v13;
	v15 =	vpop (erf)  }
0x7d: {  	v15 =	vadd.f32 $1.000000000e+00, v15  }
0x7e: {  	v12 =	vmul.f32 $1.442695020e+00, v12;
	(erf) = vpow2.f32 v13  }
0x7f: {  	v14 =	vld.idx.msk [tilespmem:v14+s11+$0x0], $0xffff;
	(erf) = vrcp.f32 v15  }
0x80: {  	v13 =	vld [tilespmem:s23+$0x11800];
	(erf) = vpow2.f32 v12;
	_ =	sdelay $0x3  }
0x81: {  	v15 =	vand.u32 $0x7FF, v14  }
0x82: {  	v12 =	vand.u32 $0x7FF, v13  }
0x83: {  	v12 =	vadd.s32 v15, v12  }
0x84: {  	v12 =	vcvt.s32.f32 v12;
	v15 =	vpop (erf)  }
0x85: {  	v28 =	vpop (erf)  }
0x86: {  	v12 =	vmul.f32 $4.885197850e-04, v12;
	v21 =	vpop (erf)  }
0x87: {  	v21 =	vadd.f32 $1.000000000e+00, v21  }
0x88: {  	v12 =	vmul.f32 $1.442695020e+00, v12  }
0x89: {  	(erf) = vrcp.f32 v21  }
0x8a: {  	(erf) = vpow2.f32 v12;
	_ =	sdelay $0x7  }
0x8b: {  	v21 =	vpop (erf)  }
0x8c: {  	v12 =	vpop (erf)  }
0x8d: {  	v12 =	vadd.f32 $1.000000000e+00, v12;
	_ =	sdelay $0x1  }
0x8e: {  	(erf) = vrcp.f32 v12;
	_ =	sdelay $0x4  }
0x8f: {  	v29 =	vmul.f32 $3.705070350e-03, v23  }
0x90: {  	s8 =	sadd.s32 s31, s29  }
0x91: {  	s0 =	sshrl.u32 s8, $0x2;
	v29 =	vadd.f32 $-2.274769360e-02, v29  }
0x92: {  	s8 =	simm.s32 $0x0;
	s0 =	sadd.s32 s5, s0  }
0x93: {  	v29 =	vmul.f32 v29, v23;
	[tilespmem:s12], [sflag:$0x3] =	stream.linear.gather [hbm4b:s0+s8], $0x1000, $0x38;
	v12 =	vpop (erf);
	[tilespmem:$0x14100] =	vst v63  }
0x94: {  	v25 =	vadd.f32 $1.840053200e-01, v25;
	_ =	swait.ge [sflag:s10], $0x1000  }
0x95: {  	v29 =	vadd.f32 $6.580252200e-02, v29;
	[sflag:s10] =	ssyncset.done $0x0  }
0x96: {  	v25 =	vmul.f32 v25, v5;
	[sflag:s10] =	ssyncadd.s32 $0xFFFFF000  }
0x97: {  	v29 =	vmul.f32 v29, v23;
	[tilespmem:s15], [sflag:$0x1] =	stream.indirect.gather [hbm4b:s2+s13], $0x1, s14, s13, $0xb8;
	[tilespmem:$0x14100] =	vst v63  }
0x98: {  	v25 =	vadd.f32 $-2.460553050e-01, v25  }
0x99: {  	v29 =	vadd.f32 $-1.243510400e-01, v29;
	[tilespmem:s16], [sflag:$0x1] =	stream.indirect.gather [hbm4b:s4+s13], $0x1, s14, s13, $0xb8;
	[tilespmem:$0x14100] =	vst v63  }
0x9a: {  	v25 =	vmul.f32 v25, v5;
	_ =	swait.ge [sflag:s22], $0x800  }
0x9b: {  	v29 =	vmul.f32 v29, v23;
	[sflag:s22] =	ssyncset.done $0x0  }
0x9c: {  	v24 =	vadd.f32 $9.999983310e-01, v24;
	v25 =	vadd.f32 $3.327420060e-01, v25;
	[sflag:s22] =	ssyncadd.s32 $0xFFFFF800  }
0x9d: {  	vm0 =	vgt.s32 v22, v19;
	v29 =	vadd.f32 $1.840053200e-01, v29;
	v31 =	vmul.f32 $3.705070350e-03, v20;
	_ =	swait.ge [sflag:s22], $0x800  }
0x9e: {  	v48 =	vnsel vm0, $0x0, v3;
	v3 =	vmax.f32 v3, $0.0e+00;
	v6 =	vmul.f32 v24, v6;
	[sflag:s22] =	ssyncset.done $0x0  }
0x9f: {  	v25 =	vmul.f32 v25, v5;
	v47 =	vmul.f32 v29, v23;
	v31 =	vadd.f32 $-2.274769360e-02, v31;
	s23 =	simm.s32 $0x0;
	[sflag:s22] =	ssyncadd.s32 $0xFFFFF800  }
0xa0: {  	v3 =	vsub.f32 v3, v48;
	v6 =	vadd.f32 $1.477029340e-08, v6;
	v30 =	vld [tilespmem:s23+$0x12000]  }
0xa1: {  	v25 =	vadd.f32 $-4.999519880e-01, v25;
	v24 =	vadd.f32 $-2.460553050e-01, v47;
	v49 =	vmul.f32 v31, v20  }
0xa2: {  	vm7 =	veq.s32 v22, v19;
	v6 =	vadd.f32 v6, v3  }
0xa3: {  	v3 =	vmul.f32 v25, v5;
	v19 =	vmul.f32 v24, v23;
	v50 =	vadd.f32 $6.580252200e-02, v49  }
0xa4: {  	v8 =	vshra.s32 v8, $0xB  }
0xa5: {  	v54 =	vadd.f32 $9.999983310e-01, v3;
	v19 =	vadd.f32 $3.327420060e-01, v19;
	v3 =	vmul.f32 v50, v20  }
0xa6: {  	v9 =	vshra.s32 v9, $0xB;
	v10 =	vshra.s32 v10, $0xB;
	v55 =	vmul.f32 $3.705070350e-03, v15  }
0xa7: {  	v17 =	vshra.s32 v17, $0xB;
	v19 =	vmul.f32 v19, v23;
	v3 =	vadd.f32 $-1.243510400e-01, v3;
	v51 =	vld [tilespmem:s23+$0x13000]  }
0xa8: {  	vm8 =	vgt.s32 v9, v8;
	vm9 =	vgt.s32 v17, v10;
	v22 =	vadd.f32 $-2.274769360e-02, v55;
	v53 =	vld.idx.msk [tilespmem:v30+s1+$0x0], $0xffff  }
0xa9: {  	vm10 =	veq.s32 v9, v8;
	v19 =	vadd.f32 $-4.999519880e-01, v19;
	v32 =	vmul.f32 v3, v20  }
0xaa: {  	v56 =	vnsel vm8, $0x0, v2;
	v57 =	vnsel vm9, $0x0, v4;
	v8 =	vmul.f32 v22, v15  }
0xab: {  	v2 =	vmax.f32 v2, $0.0e+00;
	v9 =	vmul.f32 v19, v23;
	v19 =	vadd.f32 $1.840053200e-01, v32  }
0xac: {  	v4 =	vmax.f32 v4, $0.0e+00;
	v5 =	vmul.f32 v54, v5;
	v8 =	vadd.f32 $6.580252200e-02, v8  }
0xad: {  	v2 =	vsub.f32 v2, v56;
	v19 =	vmul.f32 v19, v20;
	v3 =	vsub.f32 v53, v51  }
0xae: {  	s8 =	simm.s32 $0x10;
	v5 =	vadd.f32 $1.477029340e-08, v5;
	v9 =	vadd.f32 $9.999983310e-01, v9;
	v8 =	vmul.f32 v8, v15  }
0xaf: {  	v52 =	vsel vm7, $0x0, v26;
	v19 =	vadd.f32 $-2.460553050e-01, v19;
	v58 =	vld [tilespmem:s8+$0x12000];
	v26 =	vand.u32 $0x7FFFFFFF, v3  }
0xb0: {  	v6 =	vmul.f32 v6, v52;
	v8 =	vadd.f32 $-1.243510400e-01, v8;
	v26 =	vsub.f32 $0.0e+00, v26  }
0xb1: {  	v2 =	vadd.f32 v5, v2;
	v9 =	vmul.f32 v9, v23;
	v5 =	vmul.f32 v19, v20  }
0xb2: {  	v4 =	vsub.f32 v4, v57;
	v8 =	vmul.f32 v8, v15;
	v26 =	vmul.f32 $1.442695020e+00, v26  }
0xb3: {  	v0 =	vadd.f32 v6, v0;
	v59 =	vsel vm10, $0x0, v27;
	v9 =	vadd.f32 $1.477029340e-08, v9  }
0xb4: {  	v5 =	vadd.f32 $3.327420060e-01, v5;
	v6 =	vadd.f32 $1.840053200e-01, v8;
	(erf) = vpow2.f32 v26  }
0xb5: {  	vm11 =	veq.s32 v17, v10;
	v2 =	vmul.f32 v2, v59  }
0xb6: {  	v4 =	vadd.f32 v9, v4;
	v5 =	vmul.f32 v5, v20;
	v6 =	vmul.f32 v6, v15;
	v19 =	vld [tilespmem:s8+$0x13000]  }
0xb7: {  	v2 =	vadd.f32 v2, v0;
	v8 =	vsel vm11, $0x0, v28;
	v60 =	vld.idx.msk [tilespmem:v58+s1+$0x0], $0xffff  }
0xb8: {  	v5 =	vadd.f32 $-4.999519880e-01, v5;
	v4 =	vmul.f32 v4, v8;
	v6 =	vadd.f32 $-2.460553050e-01, v6  }
0xb9: {  	v1 =	vadd.f32 v52, v1  }
0xba: {  	v4 =	vadd.f32 v4, v2;
	v2 =	vmul.f32 v5, v20;
	v5 =	vmul.f32 v6, v15  }
0xbb: {  	v1 =	vadd.f32 v59, v1  }
0xbc: {  	v5 =	vadd.f32 $3.327420060e-01, v5;
	v0 =	vsub.f32 v60, v19  }
0xbd: {  	v1 =	vadd.f32 v8, v1;
	v2 =	vadd.f32 $9.999983310e-01, v2;
	v8 =	vpop (erf)  }
0xbe: {  	v5 =	vmul.f32 v5, v15;
	v17 =	vld [tilespmem:s23+$0x13800];
	s23 =	simm.s32 $0x20;
	v6 =	vand.u32 $0x7FFFFFFF, v0;
	v9 =	vmul.f32 $3.705070350e-03, v8  }
0xbf: {  	v10 =	vshra.s32 v16, $0xB;
	v2 =	vmul.f32 v2, v20;
	v20 =	vld [tilespmem:s23+$0x12000];
	v6 =	vsub.f32 $0.0e+00, v6  }
0xc0: {  	v16 =	vshra.s32 v18, $0xB;
	v5 =	vadd.f32 $-4.999519880e-01, v5;
	v19 =	vld.idx.msk [tilespmem:v30+s11+$0x0], $0xffff;
	v9 =	vadd.f32 $-2.274769360e-02, v9  }
0xc1: {  	vm12 =	vgt.s32 v16, v10;
	v6 =	vmul.f32 $1.442695020e+00, v6  }
0xc2: {  	vm13 =	veq.s32 v16, v10;
	v5 =	vmul.f32 v5, v15;
	v9 =	vmul.f32 v9, v8  }
0xc3: {  	v18 =	vnsel vm12, $0x0, v7;
	v2 =	vadd.f32 $1.477029340e-08, v2;
	(erf) = vpow2.f32 v6  }
0xc4: {  	v5 =	vadd.f32 $9.999983310e-01, v5;
	v6 =	vmax.f32 v7, $0.0e+00;
	v7 =	vadd.f32 $6.580252200e-02, v9  }
0xc5: {  	v6 =	vsub.f32 v6, v18;
	v18 =	vand.u32 $0x7FF, v19;
	v9 =	vand.u32 $0x7FF, v17  }
0xc6: {  	v5 =	vmul.f32 v5, v15;
	v15 =	vld [tilespmem:s23+$0x13000];
	v9 =	vadd.s32 v18, v9;
	v7 =	vmul.f32 v7, v8  }
0xc7: {  	v16 =	vshra.s32 v13, $0xB;
	v14 =	vshra.s32 v14, $0xB;
	v61 =	vld.idx.msk [tilespmem:v20+s1+$0x0], $0xffff;
	v9 =	vcvt.s32.f32 v9  }
0xc8: {  	vm14 =	vgt.s32 v14, v16;
	v6 =	vadd.f32 v2, v6;
	v7 =	vadd.f32 $-1.243510400e-01, v7  }
0xc9: {  	v13 =	vnsel vm14, $0x0, v11;
	v9 =	vmul.f32 $4.885197850e-04, v9  }
0xca: {  	v10 =	vsel vm13, $0x0, v21;
	v62 =	vadd.f32 $1.477029340e-08, v5;
	v7 =	vmul.f32 v7, v8  }
0xcb: {  	v5 =	vld.idx.msk [tilespmem:v58+s11+$0x0], $0xffff;
	v18 =	vmul.f32 v6, v10;
	v10 =	vadd.f32 v10, v1;
	v9 =	vmul.f32 $1.442695020e+00, v9  }
0xcc: {  	v11 =	vmax.f32 v11, $0.0e+00;
	v2 =	vld [tilespmem:s8+$0x13800];
	v1 =	vsub.f32 v61, v15;
	v6 =	vpop (erf);
	v7 =	vadd.f32 $1.840053200e-01, v7  }
0xcd: {  	v11 =	vsub.f32 v11, v13;
	(erf) = vpow2.f32 v9;
	v9 =	vmul.f32 $3.705070350e-03, v6  }
0xce: {  	v18 =	vadd.f32 v18, v4;
	v15 =	vand.u32 $0x7FFFFFFF, v1;
	v4 =	vmul.f32 v7, v8  }
0xcf: {  	s31 =	simm.s32 $0x30;
	vm15 =	veq.s32 v14, v16;
	v15 =	vsub.f32 $0.0e+00, v15;
	v9 =	vadd.f32 $-2.274769360e-02, v9  }
0xd0: {  	v13 =	vld [tilespmem:s31+$0x12000];
	v14 =	vand.u32 $0x7FF, v5;
	v7 =	vadd.f32 v62, v11;
	v4 =	vadd.f32 $-2.460553050e-01, v4  }
0xd1: {  	v11 =	vsel vm15, $0x0, v12;
	v12 =	vand.u32 $0x7FF, v2;
	v9 =	vmul.f32 v9, v6  }
0xd2: {  	v12 =	vadd.s32 v14, v12;
	v7 =	vmul.f32 v7, v11;
	v16 =	vmul.f32 v4, v8  }
0xd3: {  	v14 =	vadd.f32 $6.580252200e-02, v9;
	v9 =	vadd.f32 v11, v10;
	v11 =	vmul.f32 $1.442695020e+00, v15;
	_ =	sdelay $0x1  }
0xd4: {  	v16 =	vadd.f32 $3.327420060e-01, v16;
	v14 =	vmul.f32 v14, v6;
	(erf) = vpow2.f32 v11  }
0xd5: {  	v63 =	vld [tilespmem:s31+$0x13000]  }
0xd6: {  	v4 =	vld [tilespmem:s23+$0x13800];
	v16 =	vmul.f32 v16, v8;
	v11 =	vadd.f32 $-1.243510400e-01, v14  }
0xd7: {  	v12 =	vcvt.s32.f32 v12;
	v15 =	vld.idx.msk [tilespmem:v13+s1+$0x0], $0xffff;
	v10 =	vadd.f32 v7, v18  }
0xd8: {  	v7 =	vpop (erf);
	v14 =	vshra.s32 v17, $0xB;
	v17 =	vadd.f32 $-4.999519880e-01, v16;
	v16 =	vmul.f32 v11, v6;
	v11 =	vld.idx.msk [tilespmem:v20+s11+$0x0], $0xffff  }
0xd9: {  	v12 =	vmul.f32 $4.885197850e-04, v12;
	v7 =	vadd.f32 $1.000000000e+00, v7;
	_ =	sdelay $0x1  }
0xda: {  	v18 =	vmul.f32 $1.442695020e+00, v12;
	v12 =	vand.u32 $0x7FF, v4;
	(erf) = vrcp.f32 v7  }
0xdb: {  	s0 =	simm.s32 $0x40;
	s8 =	simm.s32 $0x140;
	v7 =	vsub.f32 v15, v63;
	v15 =	vshra.s32 v19, $0xB;
	v17 =	vmul.f32 v17, v8  }
.LBB2_6:
0xdc: {  	p0 =	sne.s32 s8, $0x1FC0;
	v19 =	vld [tilespmem:s0+$0x12000];
	v20 =	vand.u32 $0x7FF, v11;
	v21 =	vpop (erf);
	v16 =	vadd.f32 $1.840053200e-01, v16;
	(erf) = vpow2.f32 v18  }
0xdd: {  	v23 =	vmovc v11;
	v18 =	vand.u32 $0x7FFFFFFF, v7;
	v22 =	vmul.f32 $3.705070350e-03, v21;
	v17 =	vadd.f32 $9.999983310e-01, v17  }
0xde: {  	vm0 =	vgt.s32 v15, v14;
	v11 =	vsub.f32 $0.0e+00, v18;
	v16 =	vmul.f32 v16, v6  }
0xdf: {  	v18 =	vadd.f32 $-2.274769360e-02, v22;
	v22 =	vnsel vm0, $0x0, v3;
	v17 =	vmul.f32 v17, v8;
	v8 =	vmovc v6;
	v6 =	vmovc v21  }
0xe0: {  	v21 =	vmax.f32 v3, $0.0e+00;
	v3 =	vmovc v0;
	v0 =	vmovc v1;
	v11 =	vmul.f32 $1.442695020e+00, v11;
	v16 =	vadd.f32 $-2.460553050e-01, v16  }
0xe1: {  	v1 =	vmovc v7;
	v21 =	vsub.f32 v21, v22;
	v18 =	vmul.f32 v18, v6;
	v24 =	vadd.f32 $1.477029340e-08, v17  }
0xe2: {  	vm0 =	veq.s32 v15, v14;
	v7 =	vld [tilespmem:s31+$0x13800];
	(erf) = vpow2.f32 v11;
	v11 =	vmul.f32 v16, v8;
	s31 =	smov.u32 s0  }
0xe3: {  	v12 =	vadd.s32 v20, v12;
	v15 =	vld [tilespmem:s31+$0x13000];
	v14 =	vadd.f32 $6.580252200e-02, v18;
	v16 =	vadd.f32 v24, v21;
	v17 =	vpop (erf)  }
0xe4: {  	v12 =	vcvt.s32.f32 v12;
	v20 =	vld.idx.msk [tilespmem:v19+s1+$0x0], $0xffff;
	v18 =	vadd.f32 $3.327420060e-01, v11;
	v17 =	vsel vm0, $0x0, v17  }
0xe5: {  	v11 =	vld.idx.msk [tilespmem:v13+s11+$0x0], $0xffff;
	v14 =	vmul.f32 v14, v6;
	v13 =	vpop (erf);
	v9 =	vadd.f32 v17, v9;
	v16 =	vmul.f32 v16, v17  }
.Ltmp1:
0xe6: {  	v12 =	vmul.f32 $4.885197850e-04, v12;
	v17 =	vadd.f32 $1.000000000e+00, v13;
	v21 =	vmul.f32 v18, v8;
	v13 =	vmovc v19;
	(pc) =	sbr.rel @p0 .LBB2_6-.Ltmp1, $4  }
0xe7: {  	v19 =	vadd.f32 $-1.243510400e-01, v14;
	v10 =	vadd.f32 v16, v10  }
0xe8: {  	v18 =	vmul.f32 $1.442695020e+00, v12;
	v14 =	vshra.s32 v2, $0xB;
	v2 =	vmovc v4;
	v4 =	vmovc v7;
	v21 =	vadd.f32 $-4.999519880e-01, v21  }
0xe9: {  	v12 =	vand.u32 $0x7FF, v4;
	v16 =	vmul.f32 v19, v6;
	(erf) = vrcp.f32 v17  }
0xea: {  	s0 =	sshra.s32 s8, $0x2;
	s8 =	sadd.s32 $0x40, s8;
	v7 =	vsub.f32 v20, v15;
	v15 =	vshra.s32 v5, $0xB;
	v5 =	vmovc v23;
	v17 =	vmul.f32 v21, v8  }
0xeb: {  	v19 =	vld [tilespmem:s0+$0x12000];
	_ =	sdelay $0x5  }
0xec: {  	(erf) = vpow2.f32 v18  }
0xed: {  	v51 =	vld [tilespmem:s0+$0x13000]  }
0xee: {  	v20 =	vld.idx.msk [tilespmem:v19+s1+$0x0], $0xffff;
	_ =	sdelay $0x2  }
0xef: {  	v21 =	vand.u32 $0x7FF, v11;
	v22 =	vand.u32 $0x7FFFFFFF, v7  }
0xf0: {  	v12 =	vadd.s32 v21, v12;
	v22 =	vsub.f32 $0.0e+00, v22  }
0xf1: {  	v52 =	vpop (erf);
	v23 =	vcvt.s32.f32 v12;
	v12 =	vsub.f32 v20, v51  }
0xf2: {  	v22 =	vmul.f32 $1.442695020e+00, v22;
	v24 =	vpop (erf)  }
0xf3: {  	v54 =	vmul.f32 $4.885197850e-04, v23;
	v53 =	vpop (erf);
	v55 =	vand.u32 $0x7FFFFFFF, v12  }
0xf4: {  	(erf) = vpow2.f32 v22;
	v18 =	vadd.f32 $1.000000000e+00, v53;
	v22 =	vsub.f32 $0.0e+00, v55  }
0xf5: {  	v20 =	vmul.f32 $1.442695020e+00, v54  }
0xf6: {  	v56 =	vld [tilespmem:s31+$0x13800];
	(erf) = vrcp.f32 v18;
	v57 =	vmul.f32 $1.442695020e+00, v22  }
0xf7: {  	v13 =	vld.idx.msk [tilespmem:v13+s11+$0x0], $0xffff;
	(erf) = vpow2.f32 v20  }
0xf8: {  	v16 =	vadd.f32 $1.840053200e-01, v16;
	vm0 =	vgt.s32 v15, v14;
	(erf) = vpow2.f32 v57  }
0xf9: {  	vm7 =	veq.s32 v15, v14;
	v2 =	vshra.s32 v2, $0xB;
	v58 =	vmul.f32 $3.705070350e-03, v52  }
0xfa: {  	v5 =	vshra.s32 v5, $0xB;
	v17 =	vadd.f32 $9.999983310e-01, v17;
	v60 =	vnsel vm0, $0x0, v3  }
0xfb: {  	v3 =	vmax.f32 v3, $0.0e+00;
	v16 =	vmul.f32 v16, v6;
	v59 =	vadd.f32 $-2.274769360e-02, v58  }
0xfc: {  	v8 =	vmul.f32 v17, v8;
	v62 =	vand.u32 $0x7FF, v56;
	v63 =	vand.u32 $0x7FF, v13  }
0xfd: {  	v3 =	vsub.f32 v3, v60;
	v61 =	vmul.f32 v59, v52;
	v18 =	vadd.s32 v63, v62  }
0xfe: {  	v16 =	vadd.f32 $-2.460553050e-01, v16;
	v8 =	vadd.f32 $1.477029340e-08, v8;
	v18 =	vcvt.s32.f32 v18;
	v25 =	vpop (erf)  }
0xff: {  	v4 =	vshra.s32 v4, $0xB;
	v17 =	vadd.f32 $6.580252200e-02, v61;
	v27 =	vmul.f32 $3.705070350e-03, v25;
	v29 =	vpop (erf)  }
0x100: {  	v16 =	vmul.f32 v16, v6;
	v3 =	vadd.f32 v8, v3;
	v18 =	vmul.f32 $4.885197850e-04, v18;
	v32 =	vpop (erf)  }
0x101: {  	v30 =	vmul.f32 v17, v52;
	v31 =	vadd.f32 $-2.274769360e-02, v27;
	v33 =	vadd.f32 $1.000000000e+00, v32;
	v34 =	vpop (erf)  }
0x102: {  	v28 =	vadd.f32 $3.327420060e-01, v16;
	v18 =	vmul.f32 $1.442695020e+00, v18;
	v35 =	vmul.f32 $3.705070350e-03, v34  }
0x103: {  	v36 =	vld [tilespmem:s0+$0x13800];
	v16 =	vadd.f32 $-1.243510400e-01, v30;
	v17 =	vmul.f32 v31, v25;
	(erf) = vrcp.f32 v33  }
0x104: {  	v19 =	vld.idx.msk [tilespmem:v19+s11+$0x0], $0xffff;
	v14 =	vmul.f32 v28, v6;
	(erf) = vpow2.f32 v18;
	v8 =	vadd.f32 $-2.274769360e-02, v35  }
0x105: {  	v49 =	vshra.s32 v11, $0xB;
	v16 =	vmul.f32 v16, v52;
	v17 =	vadd.f32 $6.580252200e-02, v17  }
0x106: {  	vm8 =	vgt.s32 v5, v2;
	v14 =	vadd.f32 $-4.999519880e-01, v14;
	v8 =	vmul.f32 v8, v34  }
0x107: {  	vm9 =	veq.s32 v5, v2;
	v16 =	vadd.f32 $1.840053200e-01, v16;
	v17 =	vmul.f32 v17, v25  }
0x108: {  	v41 =	vand.u32 $0x7FF, v36;
	v14 =	vmul.f32 v14, v6;
	v8 =	vadd.f32 $6.580252200e-02, v8  }
0x109: {  	v42 =	vand.u32 $0x7FF, v19;
	v39 =	vmul.f32 v16, v52;
	v40 =	vadd.f32 $-1.243510400e-01, v17  }
0x10a: {  	v38 =	vadd.f32 $9.999983310e-01, v14;
	v17 =	vadd.s32 v42, v41;
	v8 =	vmul.f32 v8, v34  }
0x10b: {  	v14 =	vadd.f32 $-2.460553050e-01, v39;
	v17 =	vcvt.s32.f32 v17;
	v16 =	vmul.f32 v40, v25  }
0x10c: {  	vm10 =	vgt.s32 v49, v4;
	vm11 =	veq.s32 v49, v4;
	v44 =	vpop (erf);
	v8 =	vadd.f32 $-1.243510400e-01, v8  }
0x10d: {  	v14 =	vmul.f32 v14, v52;
	v17 =	vmul.f32 $4.885197850e-04, v17;
	v16 =	vadd.f32 $1.840053200e-01, v16;
	v45 =	vpop (erf)  }
0x10e: {  	v46 =	vnsel vm8, $0x0, v0;
	v20 =	vadd.f32 $1.000000000e+00, v45;
	v8 =	vmul.f32 v8, v34  }
0x10f: {  	v14 =	vadd.f32 $3.327420060e-01, v14;
	v17 =	vmul.f32 $1.442695020e+00, v17;
	v16 =	vmul.f32 v16, v25  }
0x110: {  	v0 =	vmax.f32 v0, $0.0e+00;
	(erf) = vrcp.f32 v20;
	v8 =	vadd.f32 $1.840053200e-01, v8  }
0x111: {  	v14 =	vmul.f32 v14, v52;
	v16 =	vadd.f32 $-2.460553050e-01, v16;
	(erf) = vpow2.f32 v17  }
0x112: {  	v0 =	vsub.f32 v0, v46;
	v37 =	vsel vm7, $0x0, v24;
	v8 =	vmul.f32 v8, v34  }
0x113: {  	v3 =	vmul.f32 v3, v37;
	v14 =	vadd.f32 $-4.999519880e-01, v14;
	v16 =	vmul.f32 v16, v25  }
0x114: {  	v56 =	vshra.s32 v56, $0xB;
	v9 =	vadd.f32 v37, v9;
	v8 =	vadd.f32 $-2.460553050e-01, v8  }
0x115: {  	v3 =	vadd.f32 v3, v10;
	v2 =	vmul.f32 v14, v52;
	v47 =	vadd.f32 $3.327420060e-01, v16  }
0x116: {  	v51 =	vnsel vm10, $0x0, v1;
	v1 =	vmax.f32 v1, $0.0e+00;
	v8 =	vmul.f32 v8, v34  }
0x117: {  	v43 =	vmul.f32 v38, v6;
	v2 =	vadd.f32 $9.999983310e-01, v2;
	v5 =	vmul.f32 v47, v25  }
0x118: {  	v60 =	vshra.s32 v19, $0xB;
	v1 =	vsub.f32 v1, v51;
	v8 =	vadd.f32 $3.327420060e-01, v8  }
0x119: {  	v6 =	vadd.f32 $1.477029340e-08, v43;
	v2 =	vmul.f32 v2, v52;
	v5 =	vadd.f32 $-4.999519880e-01, v5;
	v52 =	vpop (erf)  }
0x11a: {  	v62 =	vmax.f32 v12, $0.0e+00;
	v57 =	vshra.s32 v13, $0xB;
	v53 =	vpop (erf);
	v8 =	vmul.f32 v8, v34  }
0x11b: {  	v0 =	vadd.f32 v6, v0;
	v5 =	vmul.f32 v5, v25;
	v54 =	vadd.f32 $1.000000000e+00, v53  }
0x11c: {  	vm12 =	vgt.s32 v57, v56;
	v48 =	vsel vm9, $0x0, v29;
	v8 =	vadd.f32 $-4.999519880e-01, v8  }
0x11d: {  	v0 =	vmul.f32 v0, v48;
	v5 =	vadd.f32 $9.999983310e-01, v5;
	(erf) = vrcp.f32 v54  }
0x11e: {  	v50 =	vadd.f32 v48, v9;
	v2 =	vadd.f32 $1.477029340e-08, v2;
	v59 =	vmul.f32 v8, v34  }
0x11f: {  	v0 =	vadd.f32 v0, v3;
	v3 =	vmax.f32 v7, $0.0e+00;
	v58 =	vmul.f32 v5, v25  }
0x120: {  	v1 =	vadd.f32 v2, v1;
	v2 =	vnsel vm12, $0x0, v7;
	v5 =	vadd.f32 $9.999983310e-01, v59  }
0x121: {  	v2 =	vsub.f32 v3, v2;
	v3 =	vshra.s32 v36, $0xB;
	v4 =	vadd.f32 $1.477029340e-08, v58  }
0x122: {  	v55 =	vsel vm11, $0x0, v44;
	vm13 =	vgt.s32 v60, v3;
	v5 =	vmul.f32 v5, v34  }
0x123: {  	v1 =	vmul.f32 v1, v55;
	v61 =	vnsel vm13, $0x0, v12;
	v2 =	vadd.f32 v4, v2  }
0x124: {  	s30 =	sadd.s32 $0x1, s30;
	vm14 =	veq.s32 v57, v56;
	v4 =	vsub.f32 v62, v61;
	v5 =	vadd.f32 $1.477029340e-08, v5  }
0x125: {  	p0 =	sne.s32 s30, s6;
	v6 =	vadd.f32 v55, v50;
	v0 =	vadd.f32 v1, v0;
	v1 =	vsel vm14, $0x0, v52  }
.Ltmp2:
0x126: {  	vm15 =	veq.s32 v60, v3;
	v2 =	vmul.f32 v2, v1;
	v63 =	vpop (erf);
	v3 =	vadd.f32 v5, v4;
	(pc) =	sbr.rel @p0 .LBB2_3-.Ltmp2, $3  }
0x127: {  	v4 =	vsel vm15, $0x0, v63  }
0x128: {  	v1 =	vadd.f32 v1, v6;
	v0 =	vadd.f32 v2, v0;
	v2 =	vmul.f32 v3, v4;
	_ =	sdelay $0x1  }
0x129: {  	v1 =	vadd.f32 v4, v1;
	v0 =	vadd.f32 v2, v0  }
0x12a: {  	_ =	swait.ge [sflag:s21], $0x800  }
0x12b: {  	[sflag:s21] =	ssyncset.done $0x0  }
0x12c: {  	[sflag:s21] =	ssyncadd.s32 $0xFFFFF800  }
0x12d: {  	_ =	swait.ge [sflag:s21], $0x800  }
0x12e: {  	[sflag:s21] =	ssyncset.done $0x0  }
0x12f: {  	s0 =	simm.s32 $0x0;
	[sflag:s21] =	ssyncadd.s32 $0xFFFFF800  }
0x130: {  	v3 =	vld [tilespmem:s0+$0x10000];
	_ =	sdelay $0x6  }
0x131: {  	v2 =	vld [tilespmem:s0+$0x11000]  }
0x132: {  	v4 =	vld.idx.msk [tilespmem:v3+s1+$0x0], $0xffff;
	_ =	sdelay $0x4  }
0x133: {  	s8 =	simm.s32 $0x10;
	v8 =	vsub.f32 v4, v2  }
0x134: {  	v4 =	vld [tilespmem:s8+$0x10000]  }
0x135: {  	v2 =	vand.u32 $0x7FFFFFFF, v8  }
0x136: {  	v2 =	vsub.f32 $0.0e+00, v2;
	_ =	sdelay $0x1  }
0x137: {  	v2 =	vmul.f32 $1.442695020e+00, v2;
	_ =	sdelay $0x1  }
0x138: {  	(erf) = vpow2.f32 v2  }
0x139: {  	v2 =	vld [tilespmem:s8+$0x11000]  }
0x13a: {  	v5 =	vld.idx.msk [tilespmem:v4+s1+$0x0], $0xffff;
	_ =	sdelay $0x4  }
0x13b: {  	v2 =	vsub.f32 v5, v2;
	_ =	sdelay $0x1  }
0x13c: {  	v5 =	vand.u32 $0x7FFFFFFF, v2;
	v10 =	vpop (erf)  }
0x13d: {  	v5 =	vsub.f32 $0.0e+00, v5;
	v6 =	vmul.f32 $3.705070350e-03, v10  }
0x13e: {  	v9 =	vld [tilespmem:s0+$0x11800]  }
0x13f: {  	s31 =	simm.s32 $0x20;
	v15 =	vld.idx.msk [tilespmem:v3+s11+$0x0], $0xffff;
	v5 =	vmul.f32 $1.442695020e+00, v5;
	v3 =	vadd.f32 $-2.274769360e-02, v6  }
0x140: {  	v11 =	vld [tilespmem:s31+$0x10000]  }
0x141: {  	(erf) = vpow2.f32 v5;
	v3 =	vmul.f32 v3, v10;
	_ =	sdelay $0x1  }
0x142: {  	v3 =	vadd.f32 $6.580252200e-02, v3  }
0x143: {  	v6 =	vand.u32 $0x7FF, v15;
	v5 =	vand.u32 $0x7FF, v9  }
0x144: {  	v5 =	vadd.s32 v6, v5;
	v3 =	vmul.f32 v3, v10  }
0x145: {  	v5 =	vcvt.s32.f32 v5  }
0x146: {  	v12 =	vld [tilespmem:s31+$0x11000];
	v3 =	vadd.f32 $-1.243510400e-01, v3  }
0x147: {  	v14 =	vld.idx.msk [tilespmem:v11+s1+$0x0], $0xffff;
	v5 =	vmul.f32 $4.885197850e-04, v5  }
0x148: {  	v3 =	vmul.f32 v3, v10  }
0x149: {  	v16 =	vmul.f32 $1.442695020e+00, v5;
	v7 =	vpop (erf)  }
0x14a: {  	v5 =	vld.idx.msk [tilespmem:v4+s11+$0x0], $0xffff;
	v4 =	vmul.f32 $3.705070350e-03, v7;
	v3 =	vadd.f32 $1.840053200e-01, v3  }
0x14b: {  	s26 =	simm.s32 $0x30;
	(erf) = vpow2.f32 v16  }
0x14c: {  	v13 =	vld [tilespmem:s26+$0x10000];
	v4 =	vadd.f32 $-2.274769360e-02, v4;
	v16 =	vmul.f32 v3, v10;
	v3 =	vsub.f32 v14, v12;
	_ =	sdelay $0x1  }
0x14d: {  	v6 =	vld [tilespmem:s8+$0x11800];
	v12 =	vadd.f32 $-2.460553050e-01, v16;
	v16 =	vmul.f32 v4, v7;
	v4 =	vand.u32 $0x7FFFFFFF, v3  }
0x14e: {  	v18 =	vsub.f32 $0.0e+00, v4;
	_ =	sdelay $0x1  }
0x14f: {  	v18 =	vmul.f32 $1.442695020e+00, v18  }
0x150: {  	v17 =	vand.u32 $0x7FF, v5  }
0x151: {  	v14 =	vand.u32 $0x7FF, v6;
	v12 =	vmul.f32 v12, v10;
	(erf) = vpow2.f32 v18  }
0x152: {  	v19 =	vld.idx.msk [tilespmem:v13+s1+$0x0], $0xffff;
	v14 =	vadd.s32 v17, v14;
	v16 =	vadd.f32 $6.580252200e-02, v16  }
0x153: {  	v17 =	vld [tilespmem:s26+$0x11000];
	v14 =	vcvt.s32.f32 v14;
	v12 =	vadd.f32 $3.327420060e-01, v12  }
0x154: {  	v4 =	vld [tilespmem:s31+$0x11800];
	v16 =	vmul.f32 v16, v7  }
0x155: {  	v11 =	vld.idx.msk [tilespmem:v11+s11+$0x0], $0xffff;
	v14 =	vmul.f32 $4.885197850e-04, v14;
	v20 =	vpop (erf);
	v12 =	vmul.f32 v12, v10  }
0x156: {  	v20 =	vadd.f32 $1.000000000e+00, v20;
	v16 =	vadd.f32 $-1.243510400e-01, v16  }
0x157: {  	v15 =	vshra.s32 v15, $0xB;
	v18 =	vmul.f32 $1.442695020e+00, v14;
	v21 =	vadd.f32 $-4.999519880e-01, v12  }
0x158: {  	v14 =	vshra.s32 v9, $0xB;
	(erf) = vrcp.f32 v20;
	v16 =	vmul.f32 v16, v7  }
0x159: {  	s0 =	simm.s32 $0x40;
	s8 =	simm.s32 $0x140;
	v9 =	vsub.f32 v19, v17;
	v12 =	vand.u32 $0x7FF, v4;
	v17 =	vmul.f32 v21, v10  }
.LBB2_9:
0x15a: {  	p0 =	sne.s32 s8, $0x1FC0;
	v19 =	vld [tilespmem:s0+$0x10000];
	v20 =	vand.u32 $0x7FF, v11;
	v21 =	vpop (erf);
	v16 =	vadd.f32 $1.840053200e-01, v16;
	(erf) = vpow2.f32 v18  }
0x15b: {  	v23 =	vmovc v11;
	v18 =	vand.u32 $0x7FFFFFFF, v9;
	v22 =	vmul.f32 $3.705070350e-03, v21;
	v17 =	vadd.f32 $9.999983310e-01, v17  }
0x15c: {  	vm0 =	vgt.s32 v15, v14;
	v11 =	vsub.f32 $0.0e+00, v18;
	v16 =	vmul.f32 v16, v7  }
0x15d: {  	v18 =	vadd.f32 $-2.274769360e-02, v22;
	v22 =	vnsel vm0, $0x0, v8;
	v17 =	vmul.f32 v17, v10;
	v10 =	vmovc v7;
	v7 =	vmovc v21  }
0x15e: {  	v21 =	vmax.f32 v8, $0.0e+00;
	v8 =	vmovc v2;
	v2 =	vmovc v3;
	v11 =	vmul.f32 $1.442695020e+00, v11;
	v16 =	vadd.f32 $-2.460553050e-01, v16  }
0x15f: {  	v3 =	vmovc v9;
	v21 =	vsub.f32 v21, v22;
	v18 =	vmul.f32 v18, v7;
	v24 =	vadd.f32 $1.477029340e-08, v17  }
0x160: {  	vm0 =	veq.s32 v15, v14;
	v9 =	vld [tilespmem:s26+$0x11800];
	(erf) = vpow2.f32 v11;
	v11 =	vmul.f32 v16, v10;
	s26 =	smov.u32 s0  }
0x161: {  	v12 =	vadd.s32 v20, v12;
	v15 =	vld [tilespmem:s26+$0x11000];
	v14 =	vadd.f32 $6.580252200e-02, v18;
	v16 =	vadd.f32 v24, v21;
	v17 =	vpop (erf)  }
0x162: {  	v12 =	vcvt.s32.f32 v12;
	v20 =	vld.idx.msk [tilespmem:v19+s1+$0x0], $0xffff;
	v18 =	vadd.f32 $3.327420060e-01, v11;
	v17 =	vsel vm0, $0x0, v17  }
0x163: {  	v11 =	vld.idx.msk [tilespmem:v13+s11+$0x0], $0xffff;
	v14 =	vmul.f32 v14, v7;
	v13 =	vpop (erf);
	v1 =	vadd.f32 v17, v1;
	v16 =	vmul.f32 v16, v17  }
.Ltmp3:
0x164: {  	v12 =	vmul.f32 $4.885197850e-04, v12;
	v17 =	vadd.f32 $1.000000000e+00, v13;
	v21 =	vmul.f32 v18, v10;
	v13 =	vmovc v19;
	(pc) =	sbr.rel @p0 .LBB2_9-.Ltmp3, $4  }
0x165: {  	v19 =	vadd.f32 $-1.243510400e-01, v14;
	v0 =	vadd.f32 v16, v0  }
0x166: {  	v18 =	vmul.f32 $1.442695020e+00, v12;
	v14 =	vshra.s32 v6, $0xB;
	v6 =	vmovc v4;
	v4 =	vmovc v9;
	v21 =	vadd.f32 $-4.999519880e-01, v21  }
0x167: {  	v12 =	vand.u32 $0x7FF, v4;
	v16 =	vmul.f32 v19, v7;
	(erf) = vrcp.f32 v17  }
0x168: {  	s0 =	sshra.s32 s8, $0x2;
	s8 =	sadd.s32 $0x40, s8;
	v9 =	vsub.f32 v20, v15;
	v15 =	vshra.s32 v5, $0xB;
	v5 =	vmovc v23;
	v17 =	vmul.f32 v21, v10  }
0x169: {  	v19 =	vld [tilespmem:s0+$0x10000];
	_ =	sdelay $0x5  }
0x16a: {  	(erf) = vpow2.f32 v18  }
0x16b: {  	v49 =	vld [tilespmem:s0+$0x11000]  }
0x16c: {  	v20 =	vld.idx.msk [tilespmem:v19+s1+$0x0], $0xffff;
	_ =	sdelay $0x2  }
0x16d: {  	v21 =	vand.u32 $0x7FF, v11;
	v22 =	vand.u32 $0x7FFFFFFF, v9  }
0x16e: {  	v12 =	vadd.s32 v21, v12;
	v22 =	vsub.f32 $0.0e+00, v22  }
0x16f: {  	v50 =	vpop (erf);
	v23 =	vcvt.s32.f32 v12;
	v12 =	vsub.f32 v20, v49  }
0x170: {  	v22 =	vmul.f32 $1.442695020e+00, v22;
	v24 =	vpop (erf)  }
0x171: {  	v52 =	vmul.f32 $4.885197850e-04, v23;
	v51 =	vpop (erf);
	v53 =	vand.u32 $0x7FFFFFFF, v12  }
0x172: {  	(erf) = vpow2.f32 v22;
	v18 =	vadd.f32 $1.000000000e+00, v51;
	v22 =	vsub.f32 $0.0e+00, v53  }
0x173: {  	v20 =	vmul.f32 $1.442695020e+00, v52  }
0x174: {  	v54 =	vld [tilespmem:s26+$0x11800];
	(erf) = vrcp.f32 v18;
	v55 =	vmul.f32 $1.442695020e+00, v22  }
0x175: {  	v13 =	vld.idx.msk [tilespmem:v13+s11+$0x0], $0xffff;
	(erf) = vpow2.f32 v20  }
0x176: {  	v16 =	vadd.f32 $1.840053200e-01, v16;
	vm0 =	vgt.s32 v15, v14;
	(erf) = vpow2.f32 v55  }
0x177: {  	v62 =	vmax.f32 v8, $0.0e+00;
	vm7 =	veq.s32 v15, v14;
	v56 =	vmul.f32 $3.705070350e-03, v50  }
0x178: {  	v6 =	vshra.s32 v6, $0xB;
	v5 =	vshra.s32 v5, $0xB;
	v4 =	vshra.s32 v4, $0xB  }
0x179: {  	v48 =	vshra.s32 v11, $0xB;
	v17 =	vadd.f32 $9.999983310e-01, v17;
	v57 =	vadd.f32 $-2.274769360e-02, v56  }
0x17a: {  	v16 =	vmul.f32 v16, v7;
	v60 =	vand.u32 $0x7FF, v54;
	v61 =	vand.u32 $0x7FF, v13  }
0x17b: {  	v58 =	vnsel vm0, $0x0, v8;
	v59 =	vmul.f32 v57, v50;
	v18 =	vadd.s32 v61, v60  }
0x17c: {  	v10 =	vmul.f32 v17, v10;
	v16 =	vadd.f32 $-2.460553050e-01, v16;
	v18 =	vcvt.s32.f32 v18;
	v25 =	vpop (erf)  }
0x17d: {  	v8 =	vsub.f32 v62, v58;
	v17 =	vadd.f32 $6.580252200e-02, v59;
	v63 =	vmul.f32 $3.705070350e-03, v25;
	v27 =	vpop (erf)  }
0x17e: {  	v10 =	vadd.f32 $1.477029340e-08, v10;
	v16 =	vmul.f32 v16, v7;
	v18 =	vmul.f32 $4.885197850e-04, v18;
	v30 =	vpop (erf)  }
0x17f: {  	v28 =	vmul.f32 v17, v50;
	v29 =	vadd.f32 $-2.274769360e-02, v63;
	v31 =	vadd.f32 $1.000000000e+00, v30;
	v32 =	vpop (erf)  }
0x180: {  	v8 =	vadd.f32 v10, v8;
	v18 =	vmul.f32 $1.442695020e+00, v18;
	v33 =	vmul.f32 $3.705070350e-03, v32  }
0x181: {  	v34 =	vld [tilespmem:s0+$0x11800];
	v26 =	vadd.f32 $3.327420060e-01, v16;
	v17 =	vmul.f32 v29, v25;
	(erf) = vrcp.f32 v31  }
0x182: {  	v19 =	vld.idx.msk [tilespmem:v19+s11+$0x0], $0xffff;
	v16 =	vadd.f32 $-1.243510400e-01, v28;
	(erf) = vpow2.f32 v18;
	v10 =	vadd.f32 $-2.274769360e-02, v33  }
0x183: {  	vm8 =	vgt.s32 v5, v6;
	v14 =	vmul.f32 v26, v7;
	v17 =	vadd.f32 $6.580252200e-02, v17  }
0x184: {  	vm9 =	veq.s32 v5, v6;
	v16 =	vmul.f32 v16, v50;
	v10 =	vmul.f32 v10, v32  }
0x185: {  	vm10 =	vgt.s32 v48, v4;
	v14 =	vadd.f32 $-4.999519880e-01, v14;
	v17 =	vmul.f32 v17, v25  }
0x186: {  	v39 =	vand.u32 $0x7FF, v34;
	v16 =	vadd.f32 $1.840053200e-01, v16;
	v10 =	vadd.f32 $6.580252200e-02, v10  }
0x187: {  	v40 =	vand.u32 $0x7FF, v19;
	v14 =	vmul.f32 v14, v7;
	v38 =	vadd.f32 $-1.243510400e-01, v17  }
0x188: {  	v37 =	vmul.f32 v16, v50;
	v17 =	vadd.s32 v40, v39;
	v10 =	vmul.f32 v10, v32  }
0x189: {  	vm11 =	veq.s32 v48, v4;
	v17 =	vcvt.s32.f32 v17;
	v16 =	vmul.f32 v38, v25  }
0x18a: {  	v44 =	vnsel vm8, $0x0, v2;
	v2 =	vmax.f32 v2, $0.0e+00;
	v42 =	vpop (erf);
	v10 =	vadd.f32 $-1.243510400e-01, v10  }
0x18b: {  	v36 =	vadd.f32 $9.999983310e-01, v14;
	v17 =	vmul.f32 $4.885197850e-04, v17;
	v16 =	vadd.f32 $1.840053200e-01, v16;
	v43 =	vpop (erf)  }
0x18c: {  	v14 =	vadd.f32 $-2.460553050e-01, v37;
	v20 =	vadd.f32 $1.000000000e+00, v43;
	v10 =	vmul.f32 v10, v32  }
0x18d: {  	v58 =	vmax.f32 v9, $0.0e+00;
	v17 =	vmul.f32 $1.442695020e+00, v17;
	v16 =	vmul.f32 v16, v25  }
0x18e: {  	v14 =	vmul.f32 v14, v50;
	(erf) = vrcp.f32 v20;
	v10 =	vadd.f32 $1.840053200e-01, v10  }
0x18f: {  	v2 =	vsub.f32 v2, v44;
	v16 =	vadd.f32 $-2.460553050e-01, v16;
	(erf) = vpow2.f32 v17  }
0x190: {  	v54 =	vshra.s32 v54, $0xB;
	v14 =	vadd.f32 $3.327420060e-01, v14;
	v10 =	vmul.f32 v10, v32  }
0x191: {  	v59 =	vshra.s32 v34, $0xB;
	v35 =	vsel vm7, $0x0, v24;
	v16 =	vmul.f32 v16, v25  }
0x192: {  	v8 =	vmul.f32 v8, v35;
	v14 =	vmul.f32 v14, v50;
	v10 =	vadd.f32 $-2.460553050e-01, v10  }
0x193: {  	v1 =	vadd.f32 v35, v1;
	v41 =	vmul.f32 v36, v7;
	v46 =	vadd.f32 $3.327420060e-01, v16  }
0x194: {  	v0 =	vadd.f32 v8, v0;
	v14 =	vadd.f32 $-4.999519880e-01, v14;
	v10 =	vmul.f32 v10, v32  }
0x195: {  	v60 =	vshra.s32 v19, $0xB;
	v7 =	vadd.f32 $1.477029340e-08, v41;
	v6 =	vmul.f32 v46, v25  }
0x196: {  	vm13 =	vgt.s32 v60, v59;
	v45 =	vmul.f32 v14, v50;
	v49 =	vadd.f32 $3.327420060e-01, v10  }
0x197: {  	v55 =	vshra.s32 v13, $0xB;
	v2 =	vadd.f32 v7, v2;
	v6 =	vadd.f32 $-4.999519880e-01, v6;
	v51 =	vpop (erf)  }
0x198: {  	v47 =	vsel vm9, $0x0, v27;
	v5 =	vadd.f32 $9.999983310e-01, v45;
	v52 =	vpop (erf);
	v7 =	vmul.f32 v49, v32  }
0x199: {  	v2 =	vmul.f32 v2, v47;
	v6 =	vmul.f32 v6, v25;
	v53 =	vadd.f32 $1.000000000e+00, v52  }
0x19a: {  	v5 =	vmul.f32 v5, v50;
	v50 =	vnsel vm10, $0x0, v3;
	v7 =	vadd.f32 $-4.999519880e-01, v7  }
0x19b: {  	v3 =	vmax.f32 v3, $0.0e+00;
	v6 =	vadd.f32 $9.999983310e-01, v6;
	(erf) = vrcp.f32 v53  }
0x19c: {  	v3 =	vsub.f32 v3, v50;
	v5 =	vadd.f32 $1.477029340e-08, v5;
	v57 =	vmul.f32 v7, v32  }
0x19d: {  	vm12 =	vgt.s32 v55, v54;
	v0 =	vadd.f32 v2, v0;
	v56 =	vmul.f32 v6, v25  }
0x19e: {  	v2 =	vadd.f32 v5, v3;
	v3 =	vnsel vm12, $0x0, v9;
	v6 =	vadd.f32 $9.999983310e-01, v57  }
0x19f: {  	v61 =	vnsel vm13, $0x0, v12;
	v3 =	vsub.f32 v58, v3;
	v4 =	vadd.f32 $1.477029340e-08, v56  }
0x1a0: {  	v62 =	vmax.f32 v12, $0.0e+00;
	v8 =	vsel vm11, $0x0, v42;
	v6 =	vmul.f32 v6, v32  }
0x1a1: {  	v1 =	vadd.f32 v47, v1;
	v2 =	vmul.f32 v2, v8;
	v3 =	vadd.f32 v4, v3  }
0x1a2: {  	s25 =	sadd.s32 $0x1, s25;
	vm14 =	veq.s32 v55, v54;
	v4 =	vsub.f32 v62, v61;
	v6 =	vadd.f32 $1.477029340e-08, v6  }
0x1a3: {  	p0 =	sne.s32 s25, $0x4;
	vm15 =	veq.s32 v60, v59;
	v0 =	vadd.f32 v2, v0;
	v2 =	vsel vm14, $0x0, v51  }
.Ltmp4:
0x1a4: {  	v1 =	vadd.f32 v8, v1;
	v3 =	vmul.f32 v3, v2;
	v63 =	vpop (erf);
	v4 =	vadd.f32 v6, v4;
	(pc) =	sbr.rel @p0 .LBB2_2-.Ltmp4, $3  }
0x1a5: {  	v5 =	vsel vm15, $0x0, v63  }
0x1a6: {  	v1 =	vadd.f32 v2, v1;
	v0 =	vadd.f32 v3, v0;
	v2 =	vmul.f32 v4, v5;
	_ =	sdelay $0x1  }
0x1a7: {  	v1 =	vadd.f32 v5, v1;
	v0 =	vadd.f32 v2, v0  }
0x1a8: {  	s24 =	sadd.s32 $0x1, s24  }
0x1a9: {  	[tilespmem:$0x14000] =	vst v1;
	p0 =	sne.s32 s24, s9  }
.Ltmp5:
0x1aa: {  	s0 =	rddreg [dreg:$0x2];
	s8 =	simm.s32 $0x14000;
	[tilespmem:$0x14080] =	vst v0;
	(pc) =	sbr.rel @p0 .LBB2_1-.Ltmp5, $4  }
0x1ab: {  	[hbm4b:s0+s1] =	stream.linear.scatter [tilespmem:s8], [sflag:$0x3], $0x100, $0x38;
	[tilespmem:$0x14100] =	vst v63  }
0x1ac: {  	_ =	swait.ge [sflag:s10], $0x100  }
0x1ad: {  	[sflag:s10] =	ssyncset.done $0x0  }
0x1ae: {  	[sflag:s10] =	ssyncadd.s32 $0xFFFFFF00  }
0x1af: {  	_ =	sfence.sel $0x180000  }
0x1b0: {  	[bflag:$0x0] =	sbarrier.arrive $0xFFFF  }
0x1b1: {  	_ =	strace $0x90000047  }
0x1b2: {  	[bflag:$0x2] =	sbarrier.arrive $0xFFFF  }
0x1b3: {  	p0 =	sne.s32 s3, $0x0;
	s0 =	rddreg [dreg:$0x1]  }
0x1b4: {  	s0 =	sadd.s32 @!p0 $0x100000, s0  }
0x1b5: {  	[sflag:s0] =	ssyncadd.tile.s32 @!p0 $0x1;
	_ =	shalt  }
.Lfunc_end2:
_tile_overlayer_lowered:
.L_overlay_start_2:
0x1b6: {  	(tag) =	ssettag $0x2  }
0x1b7: {  	s0 =	rddreg [dreg:$0x0];
	s2 =	stileid.u32  }
0x1b8: {  	s1 =	rddreg [dreg:$0x1];
	p0 =	sne.s32 s2, $0x0  }
0x1b9: {  	s3 =	rddreg [dreg:$0x2];
	[bflag:$0x3] =	sbarrier.arrive $0xFFFF;
	s2 =	simm.s32 @!p0 $0x1C03  }
0x1ba: {  	[timem:s3], [sflag:s2] =	dma.local @!p0 [hbm:s0], s1  }
0x1bb: {  	s0 =	simm.s32 @!p0 $0x3  }
0x1bc: {  	_ =	swait.ge @!p0 [sflag:s0], s1  }
0x1bd: {  	s1 =	ssub.s32 @!p0 $0x0, s1;
	[sflag:s0] =	ssyncset.done @!p0 $0x0  }
0x1be: {  	[sflag:s0] =	ssyncadd.s32 @!p0 s1  }
0x1bf: {  	[bflag:$0x3] =	sbarrier.arrive $0xFFFF  }
0x1c0: {  	_ =	shalt  }

</sc_bundles>
